<compile_context>
chip_gen: v7x
topology: tpu7x:2x2x1
jax: 0.10.2.dev20260603
libtpu: 0.0.44.dev20260713+nightly
codegen_flags: <defaults>
</compile_context>

<pallas_src>
import functools

import jax
import jax.numpy as jnp
from jax import lax
from jax.experimental import pallas as pl
from jax.experimental.pallas import tpu as pltpu
from jax.experimental.pallas import tpu_sc as plsc

L = 2048
NB = 4
ROWS = 2 * NB * L
NW = 32
RPW = ROWS // NW
CHUNK = 16
NCH = RPW // CHUNK
LANES = 16


def _sc_call(seq, seq_rep):
    mesh = plsc.VectorSubcoreMesh(core_axis_name="c", subcore_axis_name="s")

    @functools.partial(
        pl.kernel,
        mesh=mesh,
        out_type=jax.ShapeDtypeStruct((ROWS, L), jnp.float32),
        scratch_types=[
            pltpu.VMEM((L,), jnp.int32),
            pltpu.VMEM((RPW * LANES,), jnp.int32),
            pltpu.VMEM((CHUNK, L), jnp.float32),
            pltpu.VMEM((CHUNK, L), jnp.float32),
            pltpu.SemaphoreType.DMA,
            pltpu.SemaphoreType.DMA,
        ],
    )
    def k(seq_hbm, rep_hbm, out_hbm, seq_v, rep_v, buf_a, buf_b,
          sem_a, sem_b):
        nc = 2
        wid = lax.axis_index("s") * nc + lax.axis_index("c")
        base = wid * RPW
        ch = wid // (L // RPW)
        i0 = base - ch * L
        is_top = ch < NB

        @pl.when(jnp.logical_not(is_top))
        def _bot():
            pltpu.sync_copy(seq_hbm, seq_v)

            def jb(j, _):
                v = jnp.where(
                    seq_v[pl.ds(j * LANES, LANES)] == (ch - NB), 1.0, 0.0
                ).astype(jnp.float32)
                for kk in range(CHUNK):
                    buf_a[kk, pl.ds(j * LANES, LANES)] = v
                return 0
            lax.fori_loop(0, L // LANES, jb, 0)

            def db(m, _):
                pltpu.async_copy(
                    buf_a, out_hbm.at[pl.ds(base + m * CHUNK, CHUNK)], sem_a)
                return 0
            lax.fori_loop(0, NCH, db, 0)

            def dw(m, _):
                pltpu.make_async_copy(
                    buf_a, out_hbm.at[pl.ds(base, CHUNK)], sem_a).wait()
                return 0
            lax.fori_loop(0, NCH, dw, 0)

        @pl.when(is_top)
        def _top():
            pltpu.sync_copy(rep_hbm.at[pl.ds(i0 * LANES, RPW * LANES)], rep_v)

            def one_chunk(m, buf, sem, do_wait):
                rows = [
                    jnp.where(
                        rep_v[pl.ds((m * CHUNK + kk) * LANES, LANES)] == ch,
                        1.0, 0.0).astype(jnp.float32)
                    for kk in range(CHUNK)
                ]

                @pl.when(do_wait)
                def _w():
                    pltpu.make_async_copy(
                        buf, out_hbm.at[pl.ds(base, CHUNK)], sem).wait()

                def jb(j, _):
                    for kk in range(CHUNK):
                        buf[kk, pl.ds(j * LANES, LANES)] = rows[kk]
                    return 0
                lax.fori_loop(0, L // LANES, jb, 0)

                pltpu.async_copy(
                    buf, out_hbm.at[pl.ds(base + m * CHUNK, CHUNK)], sem)

            def tb(t, _):
                one_chunk(2 * t, buf_a, sem_a, t > 0)
                one_chunk(2 * t + 1, buf_b, sem_b, t > 0)
                return 0
            lax.fori_loop(0, NCH // 2, tb, 0)
            pltpu.make_async_copy(
                buf_a, out_hbm.at[pl.ds(base, CHUNK)], sem_a).wait()
            pltpu.make_async_copy(
                buf_b, out_hbm.at[pl.ds(base, CHUNK)], sem_b).wait()

    return k(seq, seq_rep)


def kernel(sequence):
    seq = sequence.astype(jnp.int32)
    seq_rep = jnp.repeat(seq, LANES)
    out = _sc_call(seq, seq_rep)
    return out.reshape(2 * NB, L, L)

# --- scband reference (transcript-rebuilt; emitter-appended) ---
"""Pipeline reference for scband-sequence-embedding-89575837926133 (READ-ONLY COPY).

The authoritative reference and input builder live on the scoring server;
editing this copy changes nothing except your own understanding.
"""

import jax, jax.numpy as jnp
import numpy as np

N_BASES = 4
L = 2048

def setup_inputs(seed: int = 0) -> dict:
    key = jax.random.key(seed)
    sequence = jax.random.randint(key, (L,), 0, N_BASES, dtype=jnp.int64)
    return {"sequence": sequence}

def reference(sequence) -> jnp.ndarray:
    # BASE_DICT[char] -> one-hot row of length N_BASES; torch.stack over chars
    one_hot = jax.nn.one_hot(sequence, N_BASES, dtype=jnp.float32)  # [L, N_BASES]
    n = one_hot.shape[0]
    # out[:, i, j] = cat(one_hot[i], one_hot[j])
    # first N_BASES channels depend only on i, last N_BASES only on j
    top = jnp.broadcast_to(jnp.transpose(one_hot)[:, :, None], (N_BASES, n, n))
    bot = jnp.broadcast_to(jnp.transpose(one_hot)[:, None, :], (N_BASES, n, n))
    out = jnp.concatenate([top, bot], axis=0)  # [2*N_BASES, L, L]
    return out

if __name__ == "__main__":
    import jax
    _d = setup_inputs()
    print(jax.jit(kernel)(*tuple(_d.values())))

</pallas_src>

<mosaic_0001>
#map = affine_map<(d0, d1) -> (0)>
#map1 = affine_map<(d0, d1) -> (0, 0)>
module attributes {stable_mosaic.version = 14 : i64} {
  func.func @k(%arg0: i32, %arg1: i32, %arg2: memref<2048xi32, #tpu.memory_space<hbm>>, %arg3: memref<32768xi32, #tpu.memory_space<hbm>>, %arg4: memref<16384x2048xf32, #tpu.memory_space<hbm>>, %arg5: memref<2048xi32, #tpu.memory_space<vmem>>, %arg6: memref<8192xi32, #tpu.memory_space<vmem>>, %arg7: memref<16x2048xf32, #tpu.memory_space<vmem>>, %arg8: memref<16x2048xf32, #tpu.memory_space<vmem>>, %arg9: memref<!tpu.dma_semaphore, #tpu.memory_space<semaphore_mem>>, %arg10: memref<!tpu.dma_semaphore, #tpu.memory_space<semaphore_mem>>) attributes {dimension_semantics = [#tpu.dimension_semantics<core_parallel>, #tpu.dimension_semantics<subcore_parallel>], iteration_bounds = array<i64: 2, 16>, scalar_prefetch = 0 : i64, scratch_operands = 6 : i64, tpu.core_type = #tpu.core_type<sc_vector_subcore>, window_params = [{transform_indices = #map}, {transform_indices = #map}, {transform_indices = #map1}]} {
    %mul3A = arith.constant 2 : i32
    %mul3A_0 = arith.muli %arg1, %mul3A : i32
    %add3A = arith.addi %mul3A_0, %arg0 : i32
    %mul3A_1 = arith.constant 512 : i32
    %mul3A_2 = arith.muli %add3A, %mul3A_1 : i32
    %jit3A = arith.constant 4 : i32
    %div3A = arith.divsi %add3A, %jit3A : i32
    %sign3A = arith.constant 0 : i32
    %sign3A_3 = arith.cmpi sgt, %add3A, %sign3A : i32
    %sign3A_4 = arith.extui %sign3A_3 : i1 to i32
    %sign3A_5 = arith.constant 0 : i32
    %sign3A_6 = arith.cmpi slt, %add3A, %sign3A_5 : i32
    %sign3A_7 = arith.extui %sign3A_6 : i1 to i32
    %sign3A_8 = arith.subi %sign3A_4, %sign3A_7 : i32
    %sign3A_9 = arith.constant 0 : i32
    %sign3A_10 = arith.cmpi sgt, %jit3A, %sign3A_9 : i32
    %sign3A_11 = arith.extui %sign3A_10 : i1 to i32
    %sign3A_12 = arith.constant 0 : i32
    %sign3A_13 = arith.cmpi slt, %jit3A, %sign3A_12 : i32
    %sign3A_14 = arith.extui %sign3A_13 : i1 to i32
    %sign3A_15 = arith.subi %sign3A_11, %sign3A_14 : i32
    %ne3A = arith.cmpi ne, %sign3A_8, %sign3A_15 : i32
    %rem3A = arith.remsi %add3A, %jit3A : i32
    %ne3A_16 = arith.constant 0 : i32
    %ne3A_17 = arith.cmpi ne, %rem3A, %ne3A_16 : i32
    %and3A = arith.andi %ne3A, %ne3A_17 : i1
    %sub3A = arith.constant 1 : i32
    %sub3A_18 = arith.subi %div3A, %sub3A : i32
    %select_n3A = arith.select %and3A, %sub3A_18, %div3A : i32
    %mul3A_19 = arith.constant 2048 : i32
    %mul3A_20 = arith.muli %select_n3A, %mul3A_19 : i32
    %sub3A_21 = arith.subi %mul3A_2, %mul3A_20 : i32
    %lt3A = arith.constant 4 : i32
    %lt3A_22 = arith.cmpi slt, %select_n3A, %lt3A : i32
    %not3A = arith.constant true
    %not3A_23 = arith.xori %lt3A_22, %not3A : i1
    %convert_element_type3A = arith.extui %not3A_23 : i1 to i32
    %cond3A = arith.constant 0 : i32
    %cond3A_24 = arith.cmpi ne, %convert_element_type3A, %cond3A : i32
    scf.if %cond3A_24 {
      "tpu.region"() ({
        %run_scoped3A = tpu.sem_alloc : memref<!tpu.dma_semaphore, #tpu.memory_space<semaphore_mem>>
        tpu.enqueue_dma source(%arg2 : memref<2048xi32, #tpu.memory_space<hbm>>) target(%arg5 : memref<2048xi32, #tpu.memory_space<vmem>>) target_semaphore(%run_scoped3A : memref<!tpu.dma_semaphore, #tpu.memory_space<semaphore_mem>>)
        tpu.wait_dma2 semaphore(%run_scoped3A : memref<!tpu.dma_semaphore, #tpu.memory_space<semaphore_mem>>) src(%arg2 : memref<2048xi32, #tpu.memory_space<hbm>>) dst(%arg5 : memref<2048xi32, #tpu.memory_space<vmem>>)
        tpu.yield
      }) : () -> ()
      %scan3A = arith.constant 0 : i32
      %scan3A_28 = arith.constant 0 : i32
      %scan3A_29 = arith.constant 128 : i32
      %scan3A_30 = arith.addi %scan3A_28, %scan3A_29 : i32
      %scan3A_31 = arith.constant 1 : i32
      %scan3A_32 = scf.for %scan3A_48 = %scan3A_28 to %scan3A_30 step %scan3A_31 iter_args(%scan3A_49 = %scan3A) -> (i32)  : i32 {
        %mul3A_50 = arith.constant 16 : i32
        %mul3A_51 = arith.muli %scan3A_48, %mul3A_50 : i32
        %get3A = arith.index_cast %mul3A_51 : i32 to index
        %get3A_52 = tpu.vector_load %arg5[%get3A] {strides = array<i32>} : memref<2048xi32, #tpu.memory_space<vmem>>, vector<16xi32>,
        %get3A_53 = vector.shape_cast %get3A_52 : vector<16xi32> to vector<16xi32>
        %sub3A_54 = arith.constant 4 : i32
        %sub3A_55 = arith.subi %select_n3A, %sub3A_54 : i32
        %eq3A = vector.broadcast %sub3A_55 : i32 to vector<16xi32>
        %eq3A_56 = arith.cmpi eq, %get3A_53, %eq3A : vector<16xi32>
        %jit3A_57 = arith.constant 1.000000e+00 : f32
        %jit3A_58 = arith.constant 0.000000e+00 : f32
        %broadcast_in_dim3A = vector.broadcast %jit3A_57 : f32 to vector<16xf32>
        %broadcast_in_dim3A_59 = vector.broadcast %jit3A_58 : f32 to vector<16xf32>
        %select_n3A_60 = arith.select %eq3A_56, %broadcast_in_dim3A, %broadcast_in_dim3A_59 : vector<16xi1>, vector<16xf32>
        %mul3A_61 = arith.constant 16 : i32
        %mul3A_62 = arith.muli %scan3A_48, %mul3A_61 : i32
        %swap3A = arith.constant 0 : i32
        %swap3A_63 = arith.index_cast %swap3A : i32 to index
        %swap3A_64 = arith.index_cast %mul3A_62 : i32 to index
        %swap3A_65 = tpu.vector_load %arg7[%swap3A_63, %swap3A_64] {strides = array<i32>} : memref<16x2048xf32, #tpu.memory_space<vmem>>, vector<1x16xf32>,
        %swap3A_66 = vector.shape_cast %swap3A_65 : vector<1x16xf32> to vector<16xf32>
        %swap3A_67 = vector.shape_cast %select_n3A_60 : vector<16xf32> to vector<1x16xf32>
        tpu.vector_store %arg7[%swap3A_63, %swap3A_64], %swap3A_67 {strides = array<i32>} : memref<16x2048xf32, #tpu.memory_space<vmem>>, vector<1x16xf32>,
        %mul3A_68 = arith.constant 16 : i32
        %mul3A_69 = arith.muli %scan3A_48, %mul3A_68 : i32
        %swap3A_70 = arith.constant 1 : i32
        %swap3A_71 = arith.index_cast %swap3A_70 : i32 to index
        %swap3A_72 = arith.index_cast %mul3A_69 : i32 to index
        %swap3A_73 = tpu.vector_load %arg7[%swap3A_71, %swap3A_72] {strides = array<i32>} : memref<16x2048xf32, #tpu.memory_space<vmem>>, vector<1x16xf32>,
        %swap3A_74 = vector.shape_cast %swap3A_73 : vector<1x16xf32> to vector<16xf32>
        %swap3A_75 = vector.shape_cast %select_n3A_60 : vector<16xf32> to vector<1x16xf32>
        tpu.vector_store %arg7[%swap3A_71, %swap3A_72], %swap3A_75 {strides = array<i32>} : memref<16x2048xf32, #tpu.memory_space<vmem>>, vector<1x16xf32>,
        %mul3A_76 = arith.constant 16 : i32
        %mul3A_77 = arith.muli %scan3A_48, %mul3A_76 : i32
        %swap3A_78 = arith.constant 2 : i32
        %swap3A_79 = arith.index_cast %swap3A_78 : i32 to index
        %swap3A_80 = arith.index_cast %mul3A_77 : i32 to index
        %swap3A_81 = tpu.vector_load %arg7[%swap3A_79, %swap3A_80] {strides = array<i32>} : memref<16x2048xf32, #tpu.memory_space<vmem>>, vector<1x16xf32>,
        %swap3A_82 = vector.shape_cast %swap3A_81 : vector<1x16xf32> to vector<16xf32>
        %swap3A_83 = vector.shape_cast %select_n3A_60 : vector<16xf32> to vector<1x16xf32>
        tpu.vector_store %arg7[%swap3A_79, %swap3A_80], %swap3A_83 {strides = array<i32>} : memref<16x2048xf32, #tpu.memory_space<vmem>>, vector<1x16xf32>,
        %mul3A_84 = arith.constant 16 : i32
        %mul3A_85 = arith.muli %scan3A_48, %mul3A_84 : i32
        %swap3A_86 = arith.constant 3 : i32
        %swap3A_87 = arith.index_cast %swap3A_86 : i32 to index
        %swap3A_88 = arith.index_cast %mul3A_85 : i32 to index
        %swap3A_89 = tpu.vector_load %arg7[%swap3A_87, %swap3A_88] {strides = array<i32>} : memref<16x2048xf32, #tpu.memory_space<vmem>>, vector<1x16xf32>,
        %swap3A_90 = vector.shape_cast %swap3A_89 : vector<1x16xf32> to vector<16xf32>
        %swap3A_91 = vector.shape_cast %select_n3A_60 : vector<16xf32> to vector<1x16xf32>
        tpu.vector_store %arg7[%swap3A_87, %swap3A_88], %swap3A_91 {strides = array<i32>} : memref<16x2048xf32, #tpu.memory_space<vmem>>, vector<1x16xf32>,
        %mul3A_92 = arith.constant 16 : i32
        %mul3A_93 = arith.muli %scan3A_48, %mul3A_92 : i32
        %swap3A_94 = arith.constant 4 : i32
        %swap3A_95 = arith.index_cast %swap3A_94 : i32 to index
        %swap3A_96 = arith.index_cast %mul3A_93 : i32 to index
        %swap3A_97 = tpu.vector_load %arg7[%swap3A_95, %swap3A_96] {strides = array<i32>} : memref<16x2048xf32, #tpu.memory_space<vmem>>, vector<1x16xf32>,
        %swap3A_98 = vector.shape_cast %swap3A_97 : vector<1x16xf32> to vector<16xf32>
        %swap3A_99 = vector.shape_cast %select_n3A_60 : vector<16xf32> to vector<1x16xf32>
        tpu.vector_store %arg7[%swap3A_95, %swap3A_96], %swap3A_99 {strides = array<i32>} : memref<16x2048xf32, #tpu.memory_space<vmem>>, vector<1x16xf32>,
        %mul3A_100 = arith.constant 16 : i32
        %mul3A_101 = arith.muli %scan3A_48, %mul3A_100 : i32
        %swap3A_102 = arith.constant 5 : i32
        %swap3A_103 = arith.index_cast %swap3A_102 : i32 to index
        %swap3A_104 = arith.index_cast %mul3A_101 : i32 to index
        %swap3A_105 = tpu.vector_load %arg7[%swap3A_103, %swap3A_104] {strides = array<i32>} : memref<16x2048xf32, #tpu.memory_space<vmem>>, vector<1x16xf32>,
        %swap3A_106 = vector.shape_cast %swap3A_105 : vector<1x16xf32> to vector<16xf32>
        %swap3A_107 = vector.shape_cast %select_n3A_60 : vector<16xf32> to vector<1x16xf32>
        tpu.vector_store %arg7[%swap3A_103, %swap3A_104], %swap3A_107 {strides = array<i32>} : memref<16x2048xf32, #tpu.memory_space<vmem>>, vector<1x16xf32>,
        %mul3A_108 = arith.constant 16 : i32
        %mul3A_109 = arith.muli %scan3A_48, %mul3A_108 : i32
        %swap3A_110 = arith.constant 6 : i32
        %swap3A_111 = arith.index_cast %swap3A_110 : i32 to index
        %swap3A_112 = arith.index_cast %mul3A_109 : i32 to index
        %swap3A_113 = tpu.vector_load %arg7[%swap3A_111, %swap3A_112] {strides = array<i32>} : memref<16x2048xf32, #tpu.memory_space<vmem>>, vector<1x16xf32>,
        %swap3A_114 = vector.shape_cast %swap3A_113 : vector<1x16xf32> to vector<16xf32>
        %swap3A_115 = vector.shape_cast %select_n3A_60 : vector<16xf32> to vector<1x16xf32>
        tpu.vector_store %arg7[%swap3A_111, %swap3A_112], %swap3A_115 {strides = array<i32>} : memref<16x2048xf32, #tpu.memory_space<vmem>>, vector<1x16xf32>,
        %mul3A_116 = arith.constant 16 : i32
        %mul3A_117 = arith.muli %scan3A_48, %mul3A_116 : i32
        %swap3A_118 = arith.constant 7 : i32
        %swap3A_119 = arith.index_cast %swap3A_118 : i32 to index
        %swap3A_120 = arith.index_cast %mul3A_117 : i32 to index
        %swap3A_121 = tpu.vector_load %arg7[%swap3A_119, %swap3A_120] {strides = array<i32>} : memref<16x2048xf32, #tpu.memory_space<vmem>>, vector<1x16xf32>,
        %swap3A_122 = vector.shape_cast %swap3A_121 : vector<1x16xf32> to vector<16xf32>
        %swap3A_123 = vector.shape_cast %select_n3A_60 : vector<16xf32> to vector<1x16xf32>
        tpu.vector_store %arg7[%swap3A_119, %swap3A_120], %swap3A_123 {strides = array<i32>} : memref<16x2048xf32, #tpu.memory_space<vmem>>, vector<1x16xf32>,
        %mul3A_124 = arith.constant 16 : i32
        %mul3A_125 = arith.muli %scan3A_48, %mul3A_124 : i32
        %swap3A_126 = arith.constant 8 : i32
        %swap3A_127 = arith.index_cast %swap3A_126 : i32 to index
        %swap3A_128 = arith.index_cast %mul3A_125 : i32 to index
        %swap3A_129 = tpu.vector_load %arg7[%swap3A_127, %swap3A_128] {strides = array<i32>} : memref<16x2048xf32, #tpu.memory_space<vmem>>, vector<1x16xf32>,
        %swap3A_130 = vector.shape_cast %swap3A_129 : vector<1x16xf32> to vector<16xf32>
        %swap3A_131 = vector.shape_cast %select_n3A_60 : vector<16xf32> to vector<1x16xf32>
        tpu.vector_store %arg7[%swap3A_127, %swap3A_128], %swap3A_131 {strides = array<i32>} : memref<16x2048xf32, #tpu.memory_space<vmem>>, vector<1x16xf32>,
        %mul3A_132 = arith.constant 16 : i32
        %mul3A_133 = arith.muli %scan3A_48, %mul3A_132 : i32
        %swap3A_134 = arith.constant 9 : i32
        %swap3A_135 = arith.index_cast %swap3A_134 : i32 to index
        %swap3A_136 = arith.index_cast %mul3A_133 : i32 to index
        %swap3A_137 = tpu.vector_load %arg7[%swap3A_135, %swap3A_136] {strides = array<i32>} : memref<16x2048xf32, #tpu.memory_space<vmem>>, vector<1x16xf32>,
        %swap3A_138 = vector.shape_cast %swap3A_137 : vector<1x16xf32> to vector<16xf32>
        %swap3A_139 = vector.shape_cast %select_n3A_60 : vector<16xf32> to vector<1x16xf32>
        tpu.vector_store %arg7[%swap3A_135, %swap3A_136], %swap3A_139 {strides = array<i32>} : memref<16x2048xf32, #tpu.memory_space<vmem>>, vector<1x16xf32>,
        %mul3A_140 = arith.constant 16 : i32
        %mul3A_141 = arith.muli %scan3A_48, %mul3A_140 : i32
        %swap3A_142 = arith.constant 10 : i32
        %swap3A_143 = arith.index_cast %swap3A_142 : i32 to index
        %swap3A_144 = arith.index_cast %mul3A_141 : i32 to index
        %swap3A_145 = tpu.vector_load %arg7[%swap3A_143, %swap3A_144] {strides = array<i32>} : memref<16x2048xf32, #tpu.memory_space<vmem>>, vector<1x16xf32>,
        %swap3A_146 = vector.shape_cast %swap3A_145 : vector<1x16xf32> to vector<16xf32>
        %swap3A_147 = vector.shape_cast %select_n3A_60 : vector<16xf32> to vector<1x16xf32>
        tpu.vector_store %arg7[%swap3A_143, %swap3A_144], %swap3A_147 {strides = array<i32>} : memref<16x2048xf32, #tpu.memory_space<vmem>>, vector<1x16xf32>,
        %mul3A_148 = arith.constant 16 : i32
        %mul3A_149 = arith.muli %scan3A_48, %mul3A_148 : i32
        %swap3A_150 = arith.constant 11 : i32
        %swap3A_151 = arith.index_cast %swap3A_150 : i32 to index
        %swap3A_152 = arith.index_cast %mul3A_149 : i32 to index
        %swap3A_153 = tpu.vector_load %arg7[%swap3A_151, %swap3A_152] {strides = array<i32>} : memref<16x2048xf32, #tpu.memory_space<vmem>>, vector<1x16xf32>,
        %swap3A_154 = vector.shape_cast %swap3A_153 : vector<1x16xf32> to vector<16xf32>
        %swap3A_155 = vector.shape_cast %select_n3A_60 : vector<16xf32> to vector<1x16xf32>
        tpu.vector_store %arg7[%swap3A_151, %swap3A_152], %swap3A_155 {strides = array<i32>} : memref<16x2048xf32, #tpu.memory_space<vmem>>, vector<1x16xf32>,
        %mul3A_156 = arith.constant 16 : i32
        %mul3A_157 = arith.muli %scan3A_48, %mul3A_156 : i32
        %swap3A_158 = arith.constant 12 : i32
        %swap3A_159 = arith.index_cast %swap3A_158 : i32 to index
        %swap3A_160 = arith.index_cast %mul3A_157 : i32 to index
        %swap3A_161 = tpu.vector_load %arg7[%swap3A_159, %swap3A_160] {strides = array<i32>} : memref<16x2048xf32, #tpu.memory_space<vmem>>, vector<1x16xf32>,
        %swap3A_162 = vector.shape_cast %swap3A_161 : vector<1x16xf32> to vector<16xf32>
        %swap3A_163 = vector.shape_cast %select_n3A_60 : vector<16xf32> to vector<1x16xf32>
        tpu.vector_store %arg7[%swap3A_159, %swap3A_160], %swap3A_163 {strides = array<i32>} : memref<16x2048xf32, #tpu.memory_space<vmem>>, vector<1x16xf32>,
        %mul3A_164 = arith.constant 16 : i32
        %mul3A_165 = arith.muli %scan3A_48, %mul3A_164 : i32
        %swap3A_166 = arith.constant 13 : i32
        %swap3A_167 = arith.index_cast %swap3A_166 : i32 to index
        %swap3A_168 = arith.index_cast %mul3A_165 : i32 to index
        %swap3A_169 = tpu.vector_load %arg7[%swap3A_167, %swap3A_168] {strides = array<i32>} : memref<16x2048xf32, #tpu.memory_space<vmem>>, vector<1x16xf32>,
        %swap3A_170 = vector.shape_cast %swap3A_169 : vector<1x16xf32> to vector<16xf32>
        %swap3A_171 = vector.shape_cast %select_n3A_60 : vector<16xf32> to vector<1x16xf32>
        tpu.vector_store %arg7[%swap3A_167, %swap3A_168], %swap3A_171 {strides = array<i32>} : memref<16x2048xf32, #tpu.memory_space<vmem>>, vector<1x16xf32>,
        %mul3A_172 = arith.constant 16 : i32
        %mul3A_173 = arith.muli %scan3A_48, %mul3A_172 : i32
        %swap3A_174 = arith.constant 14 : i32
        %swap3A_175 = arith.index_cast %swap3A_174 : i32 to index
        %swap3A_176 = arith.index_cast %mul3A_173 : i32 to index
        %swap3A_177 = tpu.vector_load %arg7[%swap3A_175, %swap3A_176] {strides = array<i32>} : memref<16x2048xf32, #tpu.memory_space<vmem>>, vector<1x16xf32>,
        %swap3A_178 = vector.shape_cast %swap3A_177 : vector<1x16xf32> to vector<16xf32>
        %swap3A_179 = vector.shape_cast %select_n3A_60 : vector<16xf32> to vector<1x16xf32>
        tpu.vector_store %arg7[%swap3A_175, %swap3A_176], %swap3A_179 {strides = array<i32>} : memref<16x2048xf32, #tpu.memory_space<vmem>>, vector<1x16xf32>,
        %mul3A_180 = arith.constant 16 : i32
        %mul3A_181 = arith.muli %scan3A_48, %mul3A_180 : i32
        %swap3A_182 = arith.constant 15 : i32
        %swap3A_183 = arith.index_cast %swap3A_182 : i32 to index
        %swap3A_184 = arith.index_cast %mul3A_181 : i32 to index
        %swap3A_185 = tpu.vector_load %arg7[%swap3A_183, %swap3A_184] {strides = array<i32>} : memref<16x2048xf32, #tpu.memory_space<vmem>>, vector<1x16xf32>,
        %swap3A_186 = vector.shape_cast %swap3A_185 : vector<1x16xf32> to vector<16xf32>
        %swap3A_187 = vector.shape_cast %select_n3A_60 : vector<16xf32> to vector<1x16xf32>
        tpu.vector_store %arg7[%swap3A_183, %swap3A_184], %swap3A_187 {strides = array<i32>} : memref<16x2048xf32, #tpu.memory_space<vmem>>, vector<1x16xf32>,
        %scan3A_188 = arith.constant 0 : i32
        scf.yield %scan3A_188 : i32
      }
      %scan3A_33 = arith.constant 128 : i32
      %scan3A_34 = arith.constant 0 : i32
      %scan3A_35 = arith.constant 0 : i32
      %scan3A_36 = arith.constant 32 : i32
      %scan3A_37 = arith.addi %scan3A_35, %scan3A_36 : i32
      %scan3A_38 = arith.constant 1 : i32
      %scan3A_39 = scf.for %scan3A_48 = %scan3A_35 to %scan3A_37 step %scan3A_38 iter_args(%scan3A_49 = %scan3A_34) -> (i32)  : i32 {
        %mul3A_50 = arith.constant 16 : i32
        %mul3A_51 = arith.muli %scan3A_48, %mul3A_50 : i32
        %add3A_52 = arith.addi %mul3A_2, %mul3A_51 : i32
        %dma_start3A = arith.constant 0 : i32
        %dma_start3A_53 = tpu.memref_slice %arg4[%add3A_52, %dma_start3A] : memref<16384x2048xf32, #tpu.memory_space<hbm>> -> memref<16x2048xf32, #tpu.memory_space<hbm>>
        %dma_start3A_54 = arith.constant 0 : i32
        %dma_start3A_55 = tpu.memref_slice %arg4[%add3A_52, %dma_start3A_54] : memref<16384x2048xf32, #tpu.memory_space<hbm>> -> memref<16x2048xf32, #tpu.memory_space<hbm>>
        tpu.enqueue_dma source(%arg7 : memref<16x2048xf32, #tpu.memory_space<vmem>>) target(%dma_start3A_55 : memref<16x2048xf32, #tpu.memory_space<hbm>>) target_semaphore(%arg9 : memref<!tpu.dma_semaphore, #tpu.memory_space<semaphore_mem>>)
        %scan3A_56 = arith.constant 0 : i32
        scf.yield %scan3A_56 : i32
      }
      %scan3A_40 = arith.constant 32 : i32
      %scan3A_41 = arith.constant 0 : i32
      %scan3A_42 = arith.constant 0 : i32
      %scan3A_43 = arith.constant 32 : i32
      %scan3A_44 = arith.addi %scan3A_42, %scan3A_43 : i32
      %scan3A_45 = arith.constant 1 : i32
      %scan3A_46 = scf.for %scan3A_48 = %scan3A_42 to %scan3A_44 step %scan3A_45 iter_args(%scan3A_49 = %scan3A_41) -> (i32)  : i32 {
        %dma_wait3A = arith.constant 0 : i32
        %dma_wait3A_50 = tpu.memref_slice %arg4[%mul3A_2, %dma_wait3A] : memref<16384x2048xf32, #tpu.memory_space<hbm>> -> memref<16x2048xf32, #tpu.memory_space<hbm>>
        %dma_wait3A_51 = arith.constant 0 : i32
        %dma_wait3A_52 = tpu.memref_slice %arg4[%mul3A_2, %dma_wait3A_51] : memref<16384x2048xf32, #tpu.memory_space<hbm>> -> memref<16x2048xf32, #tpu.memory_space<hbm>>
        tpu.wait_dma2 semaphore(%arg9 : memref<!tpu.dma_semaphore, #tpu.memory_space<semaphore_mem>>) src(%arg7 : memref<16x2048xf32, #tpu.memory_space<vmem>>) dst(%dma_wait3A_52 : memref<16x2048xf32, #tpu.memory_space<hbm>>)
        %scan3A_53 = arith.constant 0 : i32
        scf.yield %scan3A_53 : i32
      }
      %scan3A_47 = arith.constant 32 : i32
    } else {
    }
    %convert_element_type3A_25 = arith.extui %lt3A_22 : i1 to i32
    %cond3A_26 = arith.constant 0 : i32
    %cond3A_27 = arith.cmpi ne, %convert_element_type3A_25, %cond3A_26 : i32
    scf.if %cond3A_27 {
      %mul3A_28 = arith.constant 16 : i32
      %mul3A_29 = arith.muli %sub3A_21, %mul3A_28 : i32
      "tpu.region"() ({
        %run_scoped3A = tpu.sem_alloc : memref<!tpu.dma_semaphore, #tpu.memory_space<semaphore_mem>>
        %dma_start3A = tpu.memref_slice %arg3[%mul3A_29] : memref<32768xi32, #tpu.memory_space<hbm>> -> memref<8192xi32, #tpu.memory_space<hbm>>
        %dma_start3A_43 = tpu.memref_slice %arg3[%mul3A_29] : memref<32768xi32, #tpu.memory_space<hbm>> -> memref<8192xi32, #tpu.memory_space<hbm>>
        tpu.enqueue_dma source(%dma_start3A_43 : memref<8192xi32, #tpu.memory_space<hbm>>) target(%arg6 : memref<8192xi32, #tpu.memory_space<vmem>>) target_semaphore(%run_scoped3A : memref<!tpu.dma_semaphore, #tpu.memory_space<semaphore_mem>>)
        %dma_wait3A_44 = tpu.memref_slice %arg3[%mul3A_29] : memref<32768xi32, #tpu.memory_space<hbm>> -> memref<8192xi32, #tpu.memory_space<hbm>>
        %dma_wait3A_45 = tpu.memref_slice %arg3[%mul3A_29] : memref<32768xi32, #tpu.memory_space<hbm>> -> memref<8192xi32, #tpu.memory_space<hbm>>
        tpu.wait_dma2 semaphore(%run_scoped3A : memref<!tpu.dma_semaphore, #tpu.memory_space<semaphore_mem>>) src(%dma_wait3A_45 : memref<8192xi32, #tpu.memory_space<hbm>>) dst(%arg6 : memref<8192xi32, #tpu.memory_space<vmem>>)
        tpu.yield
      }) : () -> ()
      %scan3A = arith.constant 0 : i32
      %scan3A_30 = arith.constant 0 : i32
      %scan3A_31 = arith.constant 16 : i32
      %scan3A_32 = arith.addi %scan3A_30, %scan3A_31 : i32
      %scan3A_33 = arith.constant 1 : i32
      %scan3A_34 = scf.for %scan3A_43 = %scan3A_30 to %scan3A_32 step %scan3A_33 iter_args(%scan3A_44 = %scan3A) -> (i32)  : i32 {
        %mul3A_45 = arith.constant 2 : i32
        %mul3A_46 = arith.muli %mul3A_45, %scan3A_43 : i32
        %gt3A = arith.constant 0 : i32
        %gt3A_47 = arith.cmpi sgt, %scan3A_43, %gt3A : i32
        %mul3A_48 = arith.constant 16 : i32
        %mul3A_49 = arith.muli %mul3A_46, %mul3A_48 : i32
        %add3A_50 = arith.constant 0 : i32
        %add3A_51 = arith.addi %mul3A_49, %add3A_50 : i32
        %mul3A_52 = arith.constant 16 : i32
        %mul3A_53 = arith.muli %add3A_51, %mul3A_52 : i32
        %get3A = arith.index_cast %mul3A_53 : i32 to index
        %get3A_54 = tpu.vector_load %arg6[%get3A] {strides = array<i32>} : memref<8192xi32, #tpu.memory_space<vmem>>, vector<16xi32>,
        %get3A_55 = vector.shape_cast %get3A_54 : vector<16xi32> to vector<16xi32>
        %eq3A = vector.broadcast %select_n3A : i32 to vector<16xi32>
        %eq3A_56 = arith.cmpi eq, %get3A_55, %eq3A : vector<16xi32>
        %jit3A_57 = arith.constant 1.000000e+00 : f32
        %jit3A_58 = arith.constant 0.000000e+00 : f32
        %broadcast_in_dim3A = vector.broadcast %jit3A_57 : f32 to vector<16xf32>
        %broadcast_in_dim3A_59 = vector.broadcast %jit3A_58 : f32 to vector<16xf32>
        %select_n3A_60 = arith.select %eq3A_56, %broadcast_in_dim3A, %broadcast_in_dim3A_59 : vector<16xi1>, vector<16xf32>
        %mul3A_61 = arith.constant 16 : i32
        %mul3A_62 = arith.muli %mul3A_46, %mul3A_61 : i32
        %add3A_63 = arith.constant 1 : i32
        %add3A_64 = arith.addi %mul3A_62, %add3A_63 : i32
        %mul3A_65 = arith.constant 16 : i32
        %mul3A_66 = arith.muli %add3A_64, %mul3A_65 : i32
        %get3A_67 = arith.index_cast %mul3A_66 : i32 to index
        %get3A_68 = tpu.vector_load %arg6[%get3A_67] {strides = array<i32>} : memref<8192xi32, #tpu.memory_space<vmem>>, vector<16xi32>,
        %get3A_69 = vector.shape_cast %get3A_68 : vector<16xi32> to vector<16xi32>
        %eq3A_70 = vector.broadcast %select_n3A : i32 to vector<16xi32>
        %eq3A_71 = arith.cmpi eq, %get3A_69, %eq3A_70 : vector<16xi32>
        %jit3A_72 = arith.constant 1.000000e+00 : f32
        %jit3A_73 = arith.constant 0.000000e+00 : f32
        %broadcast_in_dim3A_74 = vector.broadcast %jit3A_72 : f32 to vector<16xf32>
        %broadcast_in_dim3A_75 = vector.broadcast %jit3A_73 : f32 to vector<16xf32>
        %select_n3A_76 = arith.select %eq3A_71, %broadcast_in_dim3A_74, %broadcast_in_dim3A_75 : vector<16xi1>, vector<16xf32>
        %mul3A_77 = arith.constant 16 : i32
        %mul3A_78 = arith.muli %mul3A_46, %mul3A_77 : i32
        %add3A_79 = arith.constant 2 : i32
        %add3A_80 = arith.addi %mul3A_78, %add3A_79 : i32
        %mul3A_81 = arith.constant 16 : i32
        %mul3A_82 = arith.muli %add3A_80, %mul3A_81 : i32
        %get3A_83 = arith.index_cast %mul3A_82 : i32 to index
        %get3A_84 = tpu.vector_load %arg6[%get3A_83] {strides = array<i32>} : memref<8192xi32, #tpu.memory_space<vmem>>, vector<16xi32>,
        %get3A_85 = vector.shape_cast %get3A_84 : vector<16xi32> to vector<16xi32>
        %eq3A_86 = vector.broadcast %select_n3A : i32 to vector<16xi32>
        %eq3A_87 = arith.cmpi eq, %get3A_85, %eq3A_86 : vector<16xi32>
        %jit3A_88 = arith.constant 1.000000e+00 : f32
        %jit3A_89 = arith.constant 0.000000e+00 : f32
        %broadcast_in_dim3A_90 = vector.broadcast %jit3A_88 : f32 to vector<16xf32>
        %broadcast_in_dim3A_91 = vector.broadcast %jit3A_89 : f32 to vector<16xf32>
        %select_n3A_92 = arith.select %eq3A_87, %broadcast_in_dim3A_90, %broadcast_in_dim3A_91 : vector<16xi1>, vector<16xf32>
        %mul3A_93 = arith.constant 16 : i32
        %mul3A_94 = arith.muli %mul3A_46, %mul3A_93 : i32
        %add3A_95 = arith.constant 3 : i32
        %add3A_96 = arith.addi %mul3A_94, %add3A_95 : i32
        %mul3A_97 = arith.constant 16 : i32
        %mul3A_98 = arith.muli %add3A_96, %mul3A_97 : i32
        %get3A_99 = arith.index_cast %mul3A_98 : i32 to index
        %get3A_100 = tpu.vector_load %arg6[%get3A_99] {strides = array<i32>} : memref<8192xi32, #tpu.memory_space<vmem>>, vector<16xi32>,
        %get3A_101 = vector.shape_cast %get3A_100 : vector<16xi32> to vector<16xi32>
        %eq3A_102 = vector.broadcast %select_n3A : i32 to vector<16xi32>
        %eq3A_103 = arith.cmpi eq, %get3A_101, %eq3A_102 : vector<16xi32>
        %jit3A_104 = arith.constant 1.000000e+00 : f32
        %jit3A_105 = arith.constant 0.000000e+00 : f32
        %broadcast_in_dim3A_106 = vector.broadcast %jit3A_104 : f32 to vector<16xf32>
        %broadcast_in_dim3A_107 = vector.broadcast %jit3A_105 : f32 to vector<16xf32>
        %select_n3A_108 = arith.select %eq3A_103, %broadcast_in_dim3A_106, %broadcast_in_dim3A_107 : vector<16xi1>, vector<16xf32>
        %mul3A_109 = arith.constant 16 : i32
        %mul3A_110 = arith.muli %mul3A_46, %mul3A_109 : i32
        %add3A_111 = arith.constant 4 : i32
        %add3A_112 = arith.addi %mul3A_110, %add3A_111 : i32
        %mul3A_113 = arith.constant 16 : i32
        %mul3A_114 = arith.muli %add3A_112, %mul3A_113 : i32
        %get3A_115 = arith.index_cast %mul3A_114 : i32 to index
        %get3A_116 = tpu.vector_load %arg6[%get3A_115] {strides = array<i32>} : memref<8192xi32, #tpu.memory_space<vmem>>, vector<16xi32>,
        %get3A_117 = vector.shape_cast %get3A_116 : vector<16xi32> to vector<16xi32>
        %eq3A_118 = vector.broadcast %select_n3A : i32 to vector<16xi32>
        %eq3A_119 = arith.cmpi eq, %get3A_117, %eq3A_118 : vector<16xi32>
        %jit3A_120 = arith.constant 1.000000e+00 : f32
        %jit3A_121 = arith.constant 0.000000e+00 : f32
        %broadcast_in_dim3A_122 = vector.broadcast %jit3A_120 : f32 to vector<16xf32>
        %broadcast_in_dim3A_123 = vector.broadcast %jit3A_121 : f32 to vector<16xf32>
        %select_n3A_124 = arith.select %eq3A_119, %broadcast_in_dim3A_122, %broadcast_in_dim3A_123 : vector<16xi1>, vector<16xf32>
        %mul3A_125 = arith.constant 16 : i32
        %mul3A_126 = arith.muli %mul3A_46, %mul3A_125 : i32
        %add3A_127 = arith.constant 5 : i32
        %add3A_128 = arith.addi %mul3A_126, %add3A_127 : i32
        %mul3A_129 = arith.constant 16 : i32
        %mul3A_130 = arith.muli %add3A_128, %mul3A_129 : i32
        %get3A_131 = arith.index_cast %mul3A_130 : i32 to index
        %get3A_132 = tpu.vector_load %arg6[%get3A_131] {strides = array<i32>} : memref<8192xi32, #tpu.memory_space<vmem>>, vector<16xi32>,
        %get3A_133 = vector.shape_cast %get3A_132 : vector<16xi32> to vector<16xi32>
        %eq3A_134 = vector.broadcast %select_n3A : i32 to vector<16xi32>
        %eq3A_135 = arith.cmpi eq, %get3A_133, %eq3A_134 : vector<16xi32>
        %jit3A_136 = arith.constant 1.000000e+00 : f32
        %jit3A_137 = arith.constant 0.000000e+00 : f32
        %broadcast_in_dim3A_138 = vector.broadcast %jit3A_136 : f32 to vector<16xf32>
        %broadcast_in_dim3A_139 = vector.broadcast %jit3A_137 : f32 to vector<16xf32>
        %select_n3A_140 = arith.select %eq3A_135, %broadcast_in_dim3A_138, %broadcast_in_dim3A_139 : vector<16xi1>, vector<16xf32>
        %mul3A_141 = arith.constant 16 : i32
        %mul3A_142 = arith.muli %mul3A_46, %mul3A_141 : i32
        %add3A_143 = arith.constant 6 : i32
        %add3A_144 = arith.addi %mul3A_142, %add3A_143 : i32
        %mul3A_145 = arith.constant 16 : i32
        %mul3A_146 = arith.muli %add3A_144, %mul3A_145 : i32
        %get3A_147 = arith.index_cast %mul3A_146 : i32 to index
        %get3A_148 = tpu.vector_load %arg6[%get3A_147] {strides = array<i32>} : memref<8192xi32, #tpu.memory_space<vmem>>, vector<16xi32>,
        %get3A_149 = vector.shape_cast %get3A_148 : vector<16xi32> to vector<16xi32>
        %eq3A_150 = vector.broadcast %select_n3A : i32 to vector<16xi32>
        %eq3A_151 = arith.cmpi eq, %get3A_149, %eq3A_150 : vector<16xi32>
        %jit3A_152 = arith.constant 1.000000e+00 : f32
        %jit3A_153 = arith.constant 0.000000e+00 : f32
        %broadcast_in_dim3A_154 = vector.broadcast %jit3A_152 : f32 to vector<16xf32>
        %broadcast_in_dim3A_155 = vector.broadcast %jit3A_153 : f32 to vector<16xf32>
        %select_n3A_156 = arith.select %eq3A_151, %broadcast_in_dim3A_154, %broadcast_in_dim3A_155 : vector<16xi1>, vector<16xf32>
        %mul3A_157 = arith.constant 16 : i32
        %mul3A_158 = arith.muli %mul3A_46, %mul3A_157 : i32
        %add3A_159 = arith.constant 7 : i32
        %add3A_160 = arith.addi %mul3A_158, %add3A_159 : i32
        %mul3A_161 = arith.constant 16 : i32
        %mul3A_162 = arith.muli %add3A_160, %mul3A_161 : i32
        %get3A_163 = arith.index_cast %mul3A_162 : i32 to index
        %get3A_164 = tpu.vector_load %arg6[%get3A_163] {strides = array<i32>} : memref<8192xi32, #tpu.memory_space<vmem>>, vector<16xi32>,
        %get3A_165 = vector.shape_cast %get3A_164 : vector<16xi32> to vector<16xi32>
        %eq3A_166 = vector.broadcast %select_n3A : i32 to vector<16xi32>
        %eq3A_167 = arith.cmpi eq, %get3A_165, %eq3A_166 : vector<16xi32>
        %jit3A_168 = arith.constant 1.000000e+00 : f32
        %jit3A_169 = arith.constant 0.000000e+00 : f32
        %broadcast_in_dim3A_170 = vector.broadcast %jit3A_168 : f32 to vector<16xf32>
        %broadcast_in_dim3A_171 = vector.broadcast %jit3A_169 : f32 to vector<16xf32>
        %select_n3A_172 = arith.select %eq3A_167, %broadcast_in_dim3A_170, %broadcast_in_dim3A_171 : vector<16xi1>, vector<16xf32>
        %mul3A_173 = arith.constant 16 : i32
        %mul3A_174 = arith.muli %mul3A_46, %mul3A_173 : i32
        %add3A_175 = arith.constant 8 : i32
        %add3A_176 = arith.addi %mul3A_174, %add3A_175 : i32
        %mul3A_177 = arith.constant 16 : i32
        %mul3A_178 = arith.muli %add3A_176, %mul3A_177 : i32
        %get3A_179 = arith.index_cast %mul3A_178 : i32 to index
        %get3A_180 = tpu.vector_load %arg6[%get3A_179] {strides = array<i32>} : memref<8192xi32, #tpu.memory_space<vmem>>, vector<16xi32>,
        %get3A_181 = vector.shape_cast %get3A_180 : vector<16xi32> to vector<16xi32>
        %eq3A_182 = vector.broadcast %select_n3A : i32 to vector<16xi32>
        %eq3A_183 = arith.cmpi eq, %get3A_181, %eq3A_182 : vector<16xi32>
        %jit3A_184 = arith.constant 1.000000e+00 : f32
        %jit3A_185 = arith.constant 0.000000e+00 : f32
        %broadcast_in_dim3A_186 = vector.broadcast %jit3A_184 : f32 to vector<16xf32>
        %broadcast_in_dim3A_187 = vector.broadcast %jit3A_185 : f32 to vector<16xf32>
        %select_n3A_188 = arith.select %eq3A_183, %broadcast_in_dim3A_186, %broadcast_in_dim3A_187 : vector<16xi1>, vector<16xf32>
        %mul3A_189 = arith.constant 16 : i32
        %mul3A_190 = arith.muli %mul3A_46, %mul3A_189 : i32
        %add3A_191 = arith.constant 9 : i32
        %add3A_192 = arith.addi %mul3A_190, %add3A_191 : i32
        %mul3A_193 = arith.constant 16 : i32
        %mul3A_194 = arith.muli %add3A_192, %mul3A_193 : i32
        %get3A_195 = arith.index_cast %mul3A_194 : i32 to index
        %get3A_196 = tpu.vector_load %arg6[%get3A_195] {strides = array<i32>} : memref<8192xi32, #tpu.memory_space<vmem>>, vector<16xi32>,
        %get3A_197 = vector.shape_cast %get3A_196 : vector<16xi32> to vector<16xi32>
        %eq3A_198 = vector.broadcast %select_n3A : i32 to vector<16xi32>
        %eq3A_199 = arith.cmpi eq, %get3A_197, %eq3A_198 : vector<16xi32>
        %jit3A_200 = arith.constant 1.000000e+00 : f32
        %jit3A_201 = arith.constant 0.000000e+00 : f32
        %broadcast_in_dim3A_202 = vector.broadcast %jit3A_200 : f32 to vector<16xf32>
        %broadcast_in_dim3A_203 = vector.broadcast %jit3A_201 : f32 to vector<16xf32>
        %select_n3A_204 = arith.select %eq3A_199, %broadcast_in_dim3A_202, %broadcast_in_dim3A_203 : vector<16xi1>, vector<16xf32>
        %mul3A_205 = arith.constant 16 : i32
        %mul3A_206 = arith.muli %mul3A_46, %mul3A_205 : i32
        %add3A_207 = arith.constant 10 : i32
        %add3A_208 = arith.addi %mul3A_206, %add3A_207 : i32
        %mul3A_209 = arith.constant 16 : i32
        %mul3A_210 = arith.muli %add3A_208, %mul3A_209 : i32
        %get3A_211 = arith.index_cast %mul3A_210 : i32 to index
        %get3A_212 = tpu.vector_load %arg6[%get3A_211] {strides = array<i32>} : memref<8192xi32, #tpu.memory_space<vmem>>, vector<16xi32>,
        %get3A_213 = vector.shape_cast %get3A_212 : vector<16xi32> to vector<16xi32>
        %eq3A_214 = vector.broadcast %select_n3A : i32 to vector<16xi32>
        %eq3A_215 = arith.cmpi eq, %get3A_213, %eq3A_214 : vector<16xi32>
        %jit3A_216 = arith.constant 1.000000e+00 : f32
        %jit3A_217 = arith.constant 0.000000e+00 : f32
        %broadcast_in_dim3A_218 = vector.broadcast %jit3A_216 : f32 to vector<16xf32>
        %broadcast_in_dim3A_219 = vector.broadcast %jit3A_217 : f32 to vector<16xf32>
        %select_n3A_220 = arith.select %eq3A_215, %broadcast_in_dim3A_218, %broadcast_in_dim3A_219 : vector<16xi1>, vector<16xf32>
        %mul3A_221 = arith.constant 16 : i32
        %mul3A_222 = arith.muli %mul3A_46, %mul3A_221 : i32
        %add3A_223 = arith.constant 11 : i32
        %add3A_224 = arith.addi %mul3A_222, %add3A_223 : i32
        %mul3A_225 = arith.constant 16 : i32
        %mul3A_226 = arith.muli %add3A_224, %mul3A_225 : i32
        %get3A_227 = arith.index_cast %mul3A_226 : i32 to index
        %get3A_228 = tpu.vector_load %arg6[%get3A_227] {strides = array<i32>} : memref<8192xi32, #tpu.memory_space<vmem>>, vector<16xi32>,
        %get3A_229 = vector.shape_cast %get3A_228 : vector<16xi32> to vector<16xi32>
        %eq3A_230 = vector.broadcast %select_n3A : i32 to vector<16xi32>
        %eq3A_231 = arith.cmpi eq, %get3A_229, %eq3A_230 : vector<16xi32>
        %jit3A_232 = arith.constant 1.000000e+00 : f32
        %jit3A_233 = arith.constant 0.000000e+00 : f32
        %broadcast_in_dim3A_234 = vector.broadcast %jit3A_232 : f32 to vector<16xf32>
        %broadcast_in_dim3A_235 = vector.broadcast %jit3A_233 : f32 to vector<16xf32>
        %select_n3A_236 = arith.select %eq3A_231, %broadcast_in_dim3A_234, %broadcast_in_dim3A_235 : vector<16xi1>, vector<16xf32>
        %mul3A_237 = arith.constant 16 : i32
        %mul3A_238 = arith.muli %mul3A_46, %mul3A_237 : i32
        %add3A_239 = arith.constant 12 : i32
        %add3A_240 = arith.addi %mul3A_238, %add3A_239 : i32
        %mul3A_241 = arith.constant 16 : i32
        %mul3A_242 = arith.muli %add3A_240, %mul3A_241 : i32
        %get3A_243 = arith.index_cast %mul3A_242 : i32 to index
        %get3A_244 = tpu.vector_load %arg6[%get3A_243] {strides = array<i32>} : memref<8192xi32, #tpu.memory_space<vmem>>, vector<16xi32>,
        %get3A_245 = vector.shape_cast %get3A_244 : vector<16xi32> to vector<16xi32>
        %eq3A_246 = vector.broadcast %select_n3A : i32 to vector<16xi32>
        %eq3A_247 = arith.cmpi eq, %get3A_245, %eq3A_246 : vector<16xi32>
        %jit3A_248 = arith.constant 1.000000e+00 : f32
        %jit3A_249 = arith.constant 0.000000e+00 : f32
        %broadcast_in_dim3A_250 = vector.broadcast %jit3A_248 : f32 to vector<16xf32>
        %broadcast_in_dim3A_251 = vector.broadcast %jit3A_249 : f32 to vector<16xf32>
        %select_n3A_252 = arith.select %eq3A_247, %broadcast_in_dim3A_250, %broadcast_in_dim3A_251 : vector<16xi1>, vector<16xf32>
        %mul3A_253 = arith.constant 16 : i32
        %mul3A_254 = arith.muli %mul3A_46, %mul3A_253 : i32
        %add3A_255 = arith.constant 13 : i32
        %add3A_256 = arith.addi %mul3A_254, %add3A_255 : i32
        %mul3A_257 = arith.constant 16 : i32
        %mul3A_258 = arith.muli %add3A_256, %mul3A_257 : i32
        %get3A_259 = arith.index_cast %mul3A_258 : i32 to index
        %get3A_260 = tpu.vector_load %arg6[%get3A_259] {strides = array<i32>} : memref<8192xi32, #tpu.memory_space<vmem>>, vector<16xi32>,
        %get3A_261 = vector.shape_cast %get3A_260 : vector<16xi32> to vector<16xi32>
        %eq3A_262 = vector.broadcast %select_n3A : i32 to vector<16xi32>
        %eq3A_263 = arith.cmpi eq, %get3A_261, %eq3A_262 : vector<16xi32>
        %jit3A_264 = arith.constant 1.000000e+00 : f32
        %jit3A_265 = arith.constant 0.000000e+00 : f32
        %broadcast_in_dim3A_266 = vector.broadcast %jit3A_264 : f32 to vector<16xf32>
        %broadcast_in_dim3A_267 = vector.broadcast %jit3A_265 : f32 to vector<16xf32>
        %select_n3A_268 = arith.select %eq3A_263, %broadcast_in_dim3A_266, %broadcast_in_dim3A_267 : vector<16xi1>, vector<16xf32>
        %mul3A_269 = arith.constant 16 : i32
        %mul3A_270 = arith.muli %mul3A_46, %mul3A_269 : i32
        %add3A_271 = arith.constant 14 : i32
        %add3A_272 = arith.addi %mul3A_270, %add3A_271 : i32
        %mul3A_273 = arith.constant 16 : i32
        %mul3A_274 = arith.muli %add3A_272, %mul3A_273 : i32
        %get3A_275 = arith.index_cast %mul3A_274 : i32 to index
        %get3A_276 = tpu.vector_load %arg6[%get3A_275] {strides = array<i32>} : memref<8192xi32, #tpu.memory_space<vmem>>, vector<16xi32>,
        %get3A_277 = vector.shape_cast %get3A_276 : vector<16xi32> to vector<16xi32>
        %eq3A_278 = vector.broadcast %select_n3A : i32 to vector<16xi32>
        %eq3A_279 = arith.cmpi eq, %get3A_277, %eq3A_278 : vector<16xi32>
        %jit3A_280 = arith.constant 1.000000e+00 : f32
        %jit3A_281 = arith.constant 0.000000e+00 : f32
        %broadcast_in_dim3A_282 = vector.broadcast %jit3A_280 : f32 to vector<16xf32>
        %broadcast_in_dim3A_283 = vector.broadcast %jit3A_281 : f32 to vector<16xf32>
        %select_n3A_284 = arith.select %eq3A_279, %broadcast_in_dim3A_282, %broadcast_in_dim3A_283 : vector<16xi1>, vector<16xf32>
        %mul3A_285 = arith.constant 16 : i32
        %mul3A_286 = arith.muli %mul3A_46, %mul3A_285 : i32
        %add3A_287 = arith.constant 15 : i32
        %add3A_288 = arith.addi %mul3A_286, %add3A_287 : i32
        %mul3A_289 = arith.constant 16 : i32
        %mul3A_290 = arith.muli %add3A_288, %mul3A_289 : i32
        %get3A_291 = arith.index_cast %mul3A_290 : i32 to index
        %get3A_292 = tpu.vector_load %arg6[%get3A_291] {strides = array<i32>} : memref<8192xi32, #tpu.memory_space<vmem>>, vector<16xi32>,
        %get3A_293 = vector.shape_cast %get3A_292 : vector<16xi32> to vector<16xi32>
        %eq3A_294 = vector.broadcast %select_n3A : i32 to vector<16xi32>
        %eq3A_295 = arith.cmpi eq, %get3A_293, %eq3A_294 : vector<16xi32>
        %jit3A_296 = arith.constant 1.000000e+00 : f32
        %jit3A_297 = arith.constant 0.000000e+00 : f32
        %broadcast_in_dim3A_298 = vector.broadcast %jit3A_296 : f32 to vector<16xf32>
        %broadcast_in_dim3A_299 = vector.broadcast %jit3A_297 : f32 to vector<16xf32>
        %select_n3A_300 = arith.select %eq3A_295, %broadcast_in_dim3A_298, %broadcast_in_dim3A_299 : vector<16xi1>, vector<16xf32>
        %convert_element_type3A_301 = arith.extui %gt3A_47 : i1 to i32
        %cond3A_302 = arith.constant 0 : i32
        %cond3A_303 = arith.cmpi ne, %convert_element_type3A_301, %cond3A_302 : i32
        scf.if %cond3A_303 {
          %dma_wait3A_597 = arith.constant 0 : i32
          %dma_wait3A_598 = tpu.memref_slice %arg4[%mul3A_2, %dma_wait3A_597] : memref<16384x2048xf32, #tpu.memory_space<hbm>> -> memref<16x2048xf32, #tpu.memory_space<hbm>>
          %dma_wait3A_599 = arith.constant 0 : i32
          %dma_wait3A_600 = tpu.memref_slice %arg4[%mul3A_2, %dma_wait3A_599] : memref<16384x2048xf32, #tpu.memory_space<hbm>> -> memref<16x2048xf32, #tpu.memory_space<hbm>>
          tpu.wait_dma2 semaphore(%arg9 : memref<!tpu.dma_semaphore, #tpu.memory_space<semaphore_mem>>) src(%arg7 : memref<16x2048xf32, #tpu.memory_space<vmem>>) dst(%dma_wait3A_600 : memref<16x2048xf32, #tpu.memory_space<hbm>>)
        } else {
        }
        %scan3A_304 = arith.constant 0 : i32
        %scan3A_305 = arith.constant 0 : i32
        %scan3A_306 = arith.constant 128 : i32
        %scan3A_307 = arith.addi %scan3A_305, %scan3A_306 : i32
        %scan3A_308 = arith.constant 1 : i32
        %scan3A_309 = scf.for %scan3A_597 = %scan3A_305 to %scan3A_307 step %scan3A_308 iter_args(%scan3A_598 = %scan3A_304) -> (i32)  : i32 {
          %mul3A_599 = arith.constant 16 : i32
          %mul3A_600 = arith.muli %scan3A_597, %mul3A_599 : i32
          %swap3A = arith.constant 0 : i32
          %swap3A_601 = arith.index_cast %swap3A : i32 to index
          %swap3A_602 = arith.index_cast %mul3A_600 : i32 to index
          %swap3A_603 = tpu.vector_load %arg7[%swap3A_601, %swap3A_602] {strides = array<i32>} : memref<16x2048xf32, #tpu.memory_space<vmem>>, vector<1x16xf32>,
          %swap3A_604 = vector.shape_cast %swap3A_603 : vector<1x16xf32> to vector<16xf32>
          %swap3A_605 = vector.shape_cast %select_n3A_60 : vector<16xf32> to vector<1x16xf32>
          tpu.vector_store %arg7[%swap3A_601, %swap3A_602], %swap3A_605 {strides = array<i32>} : memref<16x2048xf32, #tpu.memory_space<vmem>>, vector<1x16xf32>,
          %mul3A_606 = arith.constant 16 : i32
          %mul3A_607 = arith.muli %scan3A_597, %mul3A_606 : i32
          %swap3A_608 = arith.constant 1 : i32
          %swap3A_609 = arith.index_cast %swap3A_608 : i32 to index
          %swap3A_610 = arith.index_cast %mul3A_607 : i32 to index
          %swap3A_611 = tpu.vector_load %arg7[%swap3A_609, %swap3A_610] {strides = array<i32>} : memref<16x2048xf32, #tpu.memory_space<vmem>>, vector<1x16xf32>,
          %swap3A_612 = vector.shape_cast %swap3A_611 : vector<1x16xf32> to vector<16xf32>
          %swap3A_613 = vector.shape_cast %select_n3A_76 : vector<16xf32> to vector<1x16xf32>
          tpu.vector_store %arg7[%swap3A_609, %swap3A_610], %swap3A_613 {strides = array<i32>} : memref<16x2048xf32, #tpu.memory_space<vmem>>, vector<1x16xf32>,
          %mul3A_614 = arith.constant 16 : i32
          %mul3A_615 = arith.muli %scan3A_597, %mul3A_614 : i32
          %swap3A_616 = arith.constant 2 : i32
          %swap3A_617 = arith.index_cast %swap3A_616 : i32 to index
          %swap3A_618 = arith.index_cast %mul3A_615 : i32 to index
          %swap3A_619 = tpu.vector_load %arg7[%swap3A_617, %swap3A_618] {strides = array<i32>} : memref<16x2048xf32, #tpu.memory_space<vmem>>, vector<1x16xf32>,
          %swap3A_620 = vector.shape_cast %swap3A_619 : vector<1x16xf32> to vector<16xf32>
          %swap3A_621 = vector.shape_cast %select_n3A_92 : vector<16xf32> to vector<1x16xf32>
          tpu.vector_store %arg7[%swap3A_617, %swap3A_618], %swap3A_621 {strides = array<i32>} : memref<16x2048xf32, #tpu.memory_space<vmem>>, vector<1x16xf32>,
          %mul3A_622 = arith.constant 16 : i32
          %mul3A_623 = arith.muli %scan3A_597, %mul3A_622 : i32
          %swap3A_624 = arith.constant 3 : i32
          %swap3A_625 = arith.index_cast %swap3A_624 : i32 to index
          %swap3A_626 = arith.index_cast %mul3A_623 : i32 to index
          %swap3A_627 = tpu.vector_load %arg7[%swap3A_625, %swap3A_626] {strides = array<i32>} : memref<16x2048xf32, #tpu.memory_space<vmem>>, vector<1x16xf32>,
          %swap3A_628 = vector.shape_cast %swap3A_627 : vector<1x16xf32> to vector<16xf32>
          %swap3A_629 = vector.shape_cast %select_n3A_108 : vector<16xf32> to vector<1x16xf32>
          tpu.vector_store %arg7[%swap3A_625, %swap3A_626], %swap3A_629 {strides = array<i32>} : memref<16x2048xf32, #tpu.memory_space<vmem>>, vector<1x16xf32>,
          %mul3A_630 = arith.constant 16 : i32
          %mul3A_631 = arith.muli %scan3A_597, %mul3A_630 : i32
          %swap3A_632 = arith.constant 4 : i32
          %swap3A_633 = arith.index_cast %swap3A_632 : i32 to index
          %swap3A_634 = arith.index_cast %mul3A_631 : i32 to index
          %swap3A_635 = tpu.vector_load %arg7[%swap3A_633, %swap3A_634] {strides = array<i32>} : memref<16x2048xf32, #tpu.memory_space<vmem>>, vector<1x16xf32>,
          %swap3A_636 = vector.shape_cast %swap3A_635 : vector<1x16xf32> to vector<16xf32>
          %swap3A_637 = vector.shape_cast %select_n3A_124 : vector<16xf32> to vector<1x16xf32>
          tpu.vector_store %arg7[%swap3A_633, %swap3A_634], %swap3A_637 {strides = array<i32>} : memref<16x2048xf32, #tpu.memory_space<vmem>>, vector<1x16xf32>,
          %mul3A_638 = arith.constant 16 : i32
          %mul3A_639 = arith.muli %scan3A_597, %mul3A_638 : i32
          %swap3A_640 = arith.constant 5 : i32
          %swap3A_641 = arith.index_cast %swap3A_640 : i32 to index
          %swap3A_642 = arith.index_cast %mul3A_639 : i32 to index
          %swap3A_643 = tpu.vector_load %arg7[%swap3A_641, %swap3A_642] {strides = array<i32>} : memref<16x2048xf32, #tpu.memory_space<vmem>>, vector<1x16xf32>,
          %swap3A_644 = vector.shape_cast %swap3A_643 : vector<1x16xf32> to vector<16xf32>
          %swap3A_645 = vector.shape_cast %select_n3A_140 : vector<16xf32> to vector<1x16xf32>
          tpu.vector_store %arg7[%swap3A_641, %swap3A_642], %swap3A_645 {strides = array<i32>} : memref<16x2048xf32, #tpu.memory_space<vmem>>, vector<1x16xf32>,
          %mul3A_646 = arith.constant 16 : i32
          %mul3A_647 = arith.muli %scan3A_597, %mul3A_646 : i32
          %swap3A_648 = arith.constant 6 : i32
          %swap3A_649 = arith.index_cast %swap3A_648 : i32 to index
          %swap3A_650 = arith.index_cast %mul3A_647 : i32 to index
          %swap3A_651 = tpu.vector_load %arg7[%swap3A_649, %swap3A_650] {strides = array<i32>} : memref<16x2048xf32, #tpu.memory_space<vmem>>, vector<1x16xf32>,
          %swap3A_652 = vector.shape_cast %swap3A_651 : vector<1x16xf32> to vector<16xf32>
          %swap3A_653 = vector.shape_cast %select_n3A_156 : vector<16xf32> to vector<1x16xf32>
          tpu.vector_store %arg7[%swap3A_649, %swap3A_650], %swap3A_653 {strides = array<i32>} : memref<16x2048xf32, #tpu.memory_space<vmem>>, vector<1x16xf32>,
          %mul3A_654 = arith.constant 16 : i32
          %mul3A_655 = arith.muli %scan3A_597, %mul3A_654 : i32
          %swap3A_656 = arith.constant 7 : i32
          %swap3A_657 = arith.index_cast %swap3A_656 : i32 to index
          %swap3A_658 = arith.index_cast %mul3A_655 : i32 to index
          %swap3A_659 = tpu.vector_load %arg7[%swap3A_657, %swap3A_658] {strides = array<i32>} : memref<16x2048xf32, #tpu.memory_space<vmem>>, vector<1x16xf32>,
          %swap3A_660 = vector.shape_cast %swap3A_659 : vector<1x16xf32> to vector<16xf32>
          %swap3A_661 = vector.shape_cast %select_n3A_172 : vector<16xf32> to vector<1x16xf32>
          tpu.vector_store %arg7[%swap3A_657, %swap3A_658], %swap3A_661 {strides = array<i32>} : memref<16x2048xf32, #tpu.memory_space<vmem>>, vector<1x16xf32>,
          %mul3A_662 = arith.constant 16 : i32
          %mul3A_663 = arith.muli %scan3A_597, %mul3A_662 : i32
          %swap3A_664 = arith.constant 8 : i32
          %swap3A_665 = arith.index_cast %swap3A_664 : i32 to index
          %swap3A_666 = arith.index_cast %mul3A_663 : i32 to index
          %swap3A_667 = tpu.vector_load %arg7[%swap3A_665, %swap3A_666] {strides = array<i32>} : memref<16x2048xf32, #tpu.memory_space<vmem>>, vector<1x16xf32>,
          %swap3A_668 = vector.shape_cast %swap3A_667 : vector<1x16xf32> to vector<16xf32>
          %swap3A_669 = vector.shape_cast %select_n3A_188 : vector<16xf32> to vector<1x16xf32>
          tpu.vector_store %arg7[%swap3A_665, %swap3A_666], %swap3A_669 {strides = array<i32>} : memref<16x2048xf32, #tpu.memory_space<vmem>>, vector<1x16xf32>,
          %mul3A_670 = arith.constant 16 : i32
          %mul3A_671 = arith.muli %scan3A_597, %mul3A_670 : i32
          %swap3A_672 = arith.constant 9 : i32
          %swap3A_673 = arith.index_cast %swap3A_672 : i32 to index
          %swap3A_674 = arith.index_cast %mul3A_671 : i32 to index
          %swap3A_675 = tpu.vector_load %arg7[%swap3A_673, %swap3A_674] {strides = array<i32>} : memref<16x2048xf32, #tpu.memory_space<vmem>>, vector<1x16xf32>,
          %swap3A_676 = vector.shape_cast %swap3A_675 : vector<1x16xf32> to vector<16xf32>
          %swap3A_677 = vector.shape_cast %select_n3A_204 : vector<16xf32> to vector<1x16xf32>
          tpu.vector_store %arg7[%swap3A_673, %swap3A_674], %swap3A_677 {strides = array<i32>} : memref<16x2048xf32, #tpu.memory_space<vmem>>, vector<1x16xf32>,
          %mul3A_678 = arith.constant 16 : i32
          %mul3A_679 = arith.muli %scan3A_597, %mul3A_678 : i32
          %swap3A_680 = arith.constant 10 : i32
          %swap3A_681 = arith.index_cast %swap3A_680 : i32 to index
          %swap3A_682 = arith.index_cast %mul3A_679 : i32 to index
          %swap3A_683 = tpu.vector_load %arg7[%swap3A_681, %swap3A_682] {strides = array<i32>} : memref<16x2048xf32, #tpu.memory_space<vmem>>, vector<1x16xf32>,
          %swap3A_684 = vector.shape_cast %swap3A_683 : vector<1x16xf32> to vector<16xf32>
          %swap3A_685 = vector.shape_cast %select_n3A_220 : vector<16xf32> to vector<1x16xf32>
          tpu.vector_store %arg7[%swap3A_681, %swap3A_682], %swap3A_685 {strides = array<i32>} : memref<16x2048xf32, #tpu.memory_space<vmem>>, vector<1x16xf32>,
          %mul3A_686 = arith.constant 16 : i32
          %mul3A_687 = arith.muli %scan3A_597, %mul3A_686 : i32
          %swap3A_688 = arith.constant 11 : i32
          %swap3A_689 = arith.index_cast %swap3A_688 : i32 to index
          %swap3A_690 = arith.index_cast %mul3A_687 : i32 to index
          %swap3A_691 = tpu.vector_load %arg7[%swap3A_689, %swap3A_690] {strides = array<i32>} : memref<16x2048xf32, #tpu.memory_space<vmem>>, vector<1x16xf32>,
          %swap3A_692 = vector.shape_cast %swap3A_691 : vector<1x16xf32> to vector<16xf32>
          %swap3A_693 = vector.shape_cast %select_n3A_236 : vector<16xf32> to vector<1x16xf32>
          tpu.vector_store %arg7[%swap3A_689, %swap3A_690], %swap3A_693 {strides = array<i32>} : memref<16x2048xf32, #tpu.memory_space<vmem>>, vector<1x16xf32>,
          %mul3A_694 = arith.constant 16 : i32
          %mul3A_695 = arith.muli %scan3A_597, %mul3A_694 : i32
          %swap3A_696 = arith.constant 12 : i32
          %swap3A_697 = arith.index_cast %swap3A_696 : i32 to index
          %swap3A_698 = arith.index_cast %mul3A_695 : i32 to index
          %swap3A_699 = tpu.vector_load %arg7[%swap3A_697, %swap3A_698] {strides = array<i32>} : memref<16x2048xf32, #tpu.memory_space<vmem>>, vector<1x16xf32>,
          %swap3A_700 = vector.shape_cast %swap3A_699 : vector<1x16xf32> to vector<16xf32>
          %swap3A_701 = vector.shape_cast %select_n3A_252 : vector<16xf32> to vector<1x16xf32>
          tpu.vector_store %arg7[%swap3A_697, %swap3A_698], %swap3A_701 {strides = array<i32>} : memref<16x2048xf32, #tpu.memory_space<vmem>>, vector<1x16xf32>,
          %mul3A_702 = arith.constant 16 : i32
          %mul3A_703 = arith.muli %scan3A_597, %mul3A_702 : i32
          %swap3A_704 = arith.constant 13 : i32
          %swap3A_705 = arith.index_cast %swap3A_704 : i32 to index
          %swap3A_706 = arith.index_cast %mul3A_703 : i32 to index
          %swap3A_707 = tpu.vector_load %arg7[%swap3A_705, %swap3A_706] {strides = array<i32>} : memref<16x2048xf32, #tpu.memory_space<vmem>>, vector<1x16xf32>,
          %swap3A_708 = vector.shape_cast %swap3A_707 : vector<1x16xf32> to vector<16xf32>
          %swap3A_709 = vector.shape_cast %select_n3A_268 : vector<16xf32> to vector<1x16xf32>
          tpu.vector_store %arg7[%swap3A_705, %swap3A_706], %swap3A_709 {strides = array<i32>} : memref<16x2048xf32, #tpu.memory_space<vmem>>, vector<1x16xf32>,
          %mul3A_710 = arith.constant 16 : i32
          %mul3A_711 = arith.muli %scan3A_597, %mul3A_710 : i32
          %swap3A_712 = arith.constant 14 : i32
          %swap3A_713 = arith.index_cast %swap3A_712 : i32 to index
          %swap3A_714 = arith.index_cast %mul3A_711 : i32 to index
          %swap3A_715 = tpu.vector_load %arg7[%swap3A_713, %swap3A_714] {strides = array<i32>} : memref<16x2048xf32, #tpu.memory_space<vmem>>, vector<1x16xf32>,
          %swap3A_716 = vector.shape_cast %swap3A_715 : vector<1x16xf32> to vector<16xf32>
          %swap3A_717 = vector.shape_cast %select_n3A_284 : vector<16xf32> to vector<1x16xf32>
          tpu.vector_store %arg7[%swap3A_713, %swap3A_714], %swap3A_717 {strides = array<i32>} : memref<16x2048xf32, #tpu.memory_space<vmem>>, vector<1x16xf32>,
          %mul3A_718 = arith.constant 16 : i32
          %mul3A_719 = arith.muli %scan3A_597, %mul3A_718 : i32
          %swap3A_720 = arith.constant 15 : i32
          %swap3A_721 = arith.index_cast %swap3A_720 : i32 to index
          %swap3A_722 = arith.index_cast %mul3A_719 : i32 to index
          %swap3A_723 = tpu.vector_load %arg7[%swap3A_721, %swap3A_722] {strides = array<i32>} : memref<16x2048xf32, #tpu.memory_space<vmem>>, vector<1x16xf32>,
          %swap3A_724 = vector.shape_cast %swap3A_723 : vector<1x16xf32> to vector<16xf32>
          %swap3A_725 = vector.shape_cast %select_n3A_300 : vector<16xf32> to vector<1x16xf32>
          tpu.vector_store %arg7[%swap3A_721, %swap3A_722], %swap3A_725 {strides = array<i32>} : memref<16x2048xf32, #tpu.memory_space<vmem>>, vector<1x16xf32>,
          %scan3A_726 = arith.constant 0 : i32
          scf.yield %scan3A_726 : i32
        }
        %scan3A_310 = arith.constant 128 : i32
        %mul3A_311 = arith.constant 16 : i32
        %mul3A_312 = arith.muli %mul3A_46, %mul3A_311 : i32
        %add3A_313 = arith.addi %mul3A_2, %mul3A_312 : i32
        %dma_start3A = arith.constant 0 : i32
        %dma_start3A_314 = tpu.memref_slice %arg4[%add3A_313, %dma_start3A] : memref<16384x2048xf32, #tpu.memory_space<hbm>> -> memref<16x2048xf32, #tpu.memory_space<hbm>>
        %dma_start3A_315 = arith.constant 0 : i32
        %dma_start3A_316 = tpu.memref_slice %arg4[%add3A_313, %dma_start3A_315] : memref<16384x2048xf32, #tpu.memory_space<hbm>> -> memref<16x2048xf32, #tpu.memory_space<hbm>>
        tpu.enqueue_dma source(%arg7 : memref<16x2048xf32, #tpu.memory_space<vmem>>) target(%dma_start3A_316 : memref<16x2048xf32, #tpu.memory_space<hbm>>) target_semaphore(%arg9 : memref<!tpu.dma_semaphore, #tpu.memory_space<semaphore_mem>>)
        %mul3A_317 = arith.constant 2 : i32
        %mul3A_318 = arith.muli %mul3A_317, %scan3A_43 : i32
        %add3A_319 = arith.constant 1 : i32
        %add3A_320 = arith.addi %mul3A_318, %add3A_319 : i32
        %gt3A_321 = arith.constant 0 : i32
        %gt3A_322 = arith.cmpi sgt, %scan3A_43, %gt3A_321 : i32
        %mul3A_323 = arith.constant 16 : i32
        %mul3A_324 = arith.muli %add3A_320, %mul3A_323 : i32
        %add3A_325 = arith.constant 0 : i32
        %add3A_326 = arith.addi %mul3A_324, %add3A_325 : i32
        %mul3A_327 = arith.constant 16 : i32
        %mul3A_328 = arith.muli %add3A_326, %mul3A_327 : i32
        %get3A_329 = arith.index_cast %mul3A_328 : i32 to index
        %get3A_330 = tpu.vector_load %arg6[%get3A_329] {strides = array<i32>} : memref<8192xi32, #tpu.memory_space<vmem>>, vector<16xi32>,
        %get3A_331 = vector.shape_cast %get3A_330 : vector<16xi32> to vector<16xi32>
        %eq3A_332 = vector.broadcast %select_n3A : i32 to vector<16xi32>
        %eq3A_333 = arith.cmpi eq, %get3A_331, %eq3A_332 : vector<16xi32>
        %jit3A_334 = arith.constant 1.000000e+00 : f32
        %jit3A_335 = arith.constant 0.000000e+00 : f32
        %broadcast_in_dim3A_336 = vector.broadcast %jit3A_334 : f32 to vector<16xf32>
        %broadcast_in_dim3A_337 = vector.broadcast %jit3A_335 : f32 to vector<16xf32>
        %select_n3A_338 = arith.select %eq3A_333, %broadcast_in_dim3A_336, %broadcast_in_dim3A_337 : vector<16xi1>, vector<16xf32>
        %mul3A_339 = arith.constant 16 : i32
        %mul3A_340 = arith.muli %add3A_320, %mul3A_339 : i32
        %add3A_341 = arith.constant 1 : i32
        %add3A_342 = arith.addi %mul3A_340, %add3A_341 : i32
        %mul3A_343 = arith.constant 16 : i32
        %mul3A_344 = arith.muli %add3A_342, %mul3A_343 : i32
        %get3A_345 = arith.index_cast %mul3A_344 : i32 to index
        %get3A_346 = tpu.vector_load %arg6[%get3A_345] {strides = array<i32>} : memref<8192xi32, #tpu.memory_space<vmem>>, vector<16xi32>,
        %get3A_347 = vector.shape_cast %get3A_346 : vector<16xi32> to vector<16xi32>
        %eq3A_348 = vector.broadcast %select_n3A : i32 to vector<16xi32>
        %eq3A_349 = arith.cmpi eq, %get3A_347, %eq3A_348 : vector<16xi32>
        %jit3A_350 = arith.constant 1.000000e+00 : f32
        %jit3A_351 = arith.constant 0.000000e+00 : f32
        %broadcast_in_dim3A_352 = vector.broadcast %jit3A_350 : f32 to vector<16xf32>
        %broadcast_in_dim3A_353 = vector.broadcast %jit3A_351 : f32 to vector<16xf32>
        %select_n3A_354 = arith.select %eq3A_349, %broadcast_in_dim3A_352, %broadcast_in_dim3A_353 : vector<16xi1>, vector<16xf32>
        %mul3A_355 = arith.constant 16 : i32
        %mul3A_356 = arith.muli %add3A_320, %mul3A_355 : i32
        %add3A_357 = arith.constant 2 : i32
        %add3A_358 = arith.addi %mul3A_356, %add3A_357 : i32
        %mul3A_359 = arith.constant 16 : i32
        %mul3A_360 = arith.muli %add3A_358, %mul3A_359 : i32
        %get3A_361 = arith.index_cast %mul3A_360 : i32 to index
        %get3A_362 = tpu.vector_load %arg6[%get3A_361] {strides = array<i32>} : memref<8192xi32, #tpu.memory_space<vmem>>, vector<16xi32>,
        %get3A_363 = vector.shape_cast %get3A_362 : vector<16xi32> to vector<16xi32>
        %eq3A_364 = vector.broadcast %select_n3A : i32 to vector<16xi32>
        %eq3A_365 = arith.cmpi eq, %get3A_363, %eq3A_364 : vector<16xi32>
        %jit3A_366 = arith.constant 1.000000e+00 : f32
        %jit3A_367 = arith.constant 0.000000e+00 : f32
        %broadcast_in_dim3A_368 = vector.broadcast %jit3A_366 : f32 to vector<16xf32>
        %broadcast_in_dim3A_369 = vector.broadcast %jit3A_367 : f32 to vector<16xf32>
        %select_n3A_370 = arith.select %eq3A_365, %broadcast_in_dim3A_368, %broadcast_in_dim3A_369 : vector<16xi1>, vector<16xf32>
        %mul3A_371 = arith.constant 16 : i32
        %mul3A_372 = arith.muli %add3A_320, %mul3A_371 : i32
        %add3A_373 = arith.constant 3 : i32
        %add3A_374 = arith.addi %mul3A_372, %add3A_373 : i32
        %mul3A_375 = arith.constant 16 : i32
        %mul3A_376 = arith.muli %add3A_374, %mul3A_375 : i32
        %get3A_377 = arith.index_cast %mul3A_376 : i32 to index
        %get3A_378 = tpu.vector_load %arg6[%get3A_377] {strides = array<i32>} : memref<8192xi32, #tpu.memory_space<vmem>>, vector<16xi32>,
        %get3A_379 = vector.shape_cast %get3A_378 : vector<16xi32> to vector<16xi32>
        %eq3A_380 = vector.broadcast %select_n3A : i32 to vector<16xi32>
        %eq3A_381 = arith.cmpi eq, %get3A_379, %eq3A_380 : vector<16xi32>
        %jit3A_382 = arith.constant 1.000000e+00 : f32
        %jit3A_383 = arith.constant 0.000000e+00 : f32
        %broadcast_in_dim3A_384 = vector.broadcast %jit3A_382 : f32 to vector<16xf32>
        %broadcast_in_dim3A_385 = vector.broadcast %jit3A_383 : f32 to vector<16xf32>
        %select_n3A_386 = arith.select %eq3A_381, %broadcast_in_dim3A_384, %broadcast_in_dim3A_385 : vector<16xi1>, vector<16xf32>
        %mul3A_387 = arith.constant 16 : i32
        %mul3A_388 = arith.muli %add3A_320, %mul3A_387 : i32
        %add3A_389 = arith.constant 4 : i32
        %add3A_390 = arith.addi %mul3A_388, %add3A_389 : i32
        %mul3A_391 = arith.constant 16 : i32
        %mul3A_392 = arith.muli %add3A_390, %mul3A_391 : i32
        %get3A_393 = arith.index_cast %mul3A_392 : i32 to index
        %get3A_394 = tpu.vector_load %arg6[%get3A_393] {strides = array<i32>} : memref<8192xi32, #tpu.memory_space<vmem>>, vector<16xi32>,
        %get3A_395 = vector.shape_cast %get3A_394 : vector<16xi32> to vector<16xi32>
        %eq3A_396 = vector.broadcast %select_n3A : i32 to vector<16xi32>
        %eq3A_397 = arith.cmpi eq, %get3A_395, %eq3A_396 : vector<16xi32>
        %jit3A_398 = arith.constant 1.000000e+00 : f32
        %jit3A_399 = arith.constant 0.000000e+00 : f32
        %broadcast_in_dim3A_400 = vector.broadcast %jit3A_398 : f32 to vector<16xf32>
        %broadcast_in_dim3A_401 = vector.broadcast %jit3A_399 : f32 to vector<16xf32>
        %select_n3A_402 = arith.select %eq3A_397, %broadcast_in_dim3A_400, %broadcast_in_dim3A_401 : vector<16xi1>, vector<16xf32>
        %mul3A_403 = arith.constant 16 : i32
        %mul3A_404 = arith.muli %add3A_320, %mul3A_403 : i32
        %add3A_405 = arith.constant 5 : i32
        %add3A_406 = arith.addi %mul3A_404, %add3A_405 : i32
        %mul3A_407 = arith.constant 16 : i32
        %mul3A_408 = arith.muli %add3A_406, %mul3A_407 : i32
        %get3A_409 = arith.index_cast %mul3A_408 : i32 to index
        %get3A_410 = tpu.vector_load %arg6[%get3A_409] {strides = array<i32>} : memref<8192xi32, #tpu.memory_space<vmem>>, vector<16xi32>,
        %get3A_411 = vector.shape_cast %get3A_410 : vector<16xi32> to vector<16xi32>
        %eq3A_412 = vector.broadcast %select_n3A : i32 to vector<16xi32>
        %eq3A_413 = arith.cmpi eq, %get3A_411, %eq3A_412 : vector<16xi32>
        %jit3A_414 = arith.constant 1.000000e+00 : f32
        %jit3A_415 = arith.constant 0.000000e+00 : f32
        %broadcast_in_dim3A_416 = vector.broadcast %jit3A_414 : f32 to vector<16xf32>
        %broadcast_in_dim3A_417 = vector.broadcast %jit3A_415 : f32 to vector<16xf32>
        %select_n3A_418 = arith.select %eq3A_413, %broadcast_in_dim3A_416, %broadcast_in_dim3A_417 : vector<16xi1>, vector<16xf32>
        %mul3A_419 = arith.constant 16 : i32
        %mul3A_420 = arith.muli %add3A_320, %mul3A_419 : i32
        %add3A_421 = arith.constant 6 : i32
        %add3A_422 = arith.addi %mul3A_420, %add3A_421 : i32
        %mul3A_423 = arith.constant 16 : i32
        %mul3A_424 = arith.muli %add3A_422, %mul3A_423 : i32
        %get3A_425 = arith.index_cast %mul3A_424 : i32 to index
        %get3A_426 = tpu.vector_load %arg6[%get3A_425] {strides = array<i32>} : memref<8192xi32, #tpu.memory_space<vmem>>, vector<16xi32>,
        %get3A_427 = vector.shape_cast %get3A_426 : vector<16xi32> to vector<16xi32>
        %eq3A_428 = vector.broadcast %select_n3A : i32 to vector<16xi32>
        %eq3A_429 = arith.cmpi eq, %get3A_427, %eq3A_428 : vector<16xi32>
        %jit3A_430 = arith.constant 1.000000e+00 : f32
        %jit3A_431 = arith.constant 0.000000e+00 : f32
        %broadcast_in_dim3A_432 = vector.broadcast %jit3A_430 : f32 to vector<16xf32>
        %broadcast_in_dim3A_433 = vector.broadcast %jit3A_431 : f32 to vector<16xf32>
        %select_n3A_434 = arith.select %eq3A_429, %broadcast_in_dim3A_432, %broadcast_in_dim3A_433 : vector<16xi1>, vector<16xf32>
        %mul3A_435 = arith.constant 16 : i32
        %mul3A_436 = arith.muli %add3A_320, %mul3A_435 : i32
        %add3A_437 = arith.constant 7 : i32
        %add3A_438 = arith.addi %mul3A_436, %add3A_437 : i32
        %mul3A_439 = arith.constant 16 : i32
        %mul3A_440 = arith.muli %add3A_438, %mul3A_439 : i32
        %get3A_441 = arith.index_cast %mul3A_440 : i32 to index
        %get3A_442 = tpu.vector_load %arg6[%get3A_441] {strides = array<i32>} : memref<8192xi32, #tpu.memory_space<vmem>>, vector<16xi32>,
        %get3A_443 = vector.shape_cast %get3A_442 : vector<16xi32> to vector<16xi32>
        %eq3A_444 = vector.broadcast %select_n3A : i32 to vector<16xi32>
        %eq3A_445 = arith.cmpi eq, %get3A_443, %eq3A_444 : vector<16xi32>
        %jit3A_446 = arith.constant 1.000000e+00 : f32
        %jit3A_447 = arith.constant 0.000000e+00 : f32
        %broadcast_in_dim3A_448 = vector.broadcast %jit3A_446 : f32 to vector<16xf32>
        %broadcast_in_dim3A_449 = vector.broadcast %jit3A_447 : f32 to vector<16xf32>
        %select_n3A_450 = arith.select %eq3A_445, %broadcast_in_dim3A_448, %broadcast_in_dim3A_449 : vector<16xi1>, vector<16xf32>
        %mul3A_451 = arith.constant 16 : i32
        %mul3A_452 = arith.muli %add3A_320, %mul3A_451 : i32
        %add3A_453 = arith.constant 8 : i32
        %add3A_454 = arith.addi %mul3A_452, %add3A_453 : i32
        %mul3A_455 = arith.constant 16 : i32
        %mul3A_456 = arith.muli %add3A_454, %mul3A_455 : i32
        %get3A_457 = arith.index_cast %mul3A_456 : i32 to index
        %get3A_458 = tpu.vector_load %arg6[%get3A_457] {strides = array<i32>} : memref<8192xi32, #tpu.memory_space<vmem>>, vector<16xi32>,
        %get3A_459 = vector.shape_cast %get3A_458 : vector<16xi32> to vector<16xi32>
        %eq3A_460 = vector.broadcast %select_n3A : i32 to vector<16xi32>
        %eq3A_461 = arith.cmpi eq, %get3A_459, %eq3A_460 : vector<16xi32>
        %jit3A_462 = arith.constant 1.000000e+00 : f32
        %jit3A_463 = arith.constant 0.000000e+00 : f32
        %broadcast_in_dim3A_464 = vector.broadcast %jit3A_462 : f32 to vector<16xf32>
        %broadcast_in_dim3A_465 = vector.broadcast %jit3A_463 : f32 to vector<16xf32>
        %select_n3A_466 = arith.select %eq3A_461, %broadcast_in_dim3A_464, %broadcast_in_dim3A_465 : vector<16xi1>, vector<16xf32>
        %mul3A_467 = arith.constant 16 : i32
        %mul3A_468 = arith.muli %add3A_320, %mul3A_467 : i32
        %add3A_469 = arith.constant 9 : i32
        %add3A_470 = arith.addi %mul3A_468, %add3A_469 : i32
        %mul3A_471 = arith.constant 16 : i32
        %mul3A_472 = arith.muli %add3A_470, %mul3A_471 : i32
        %get3A_473 = arith.index_cast %mul3A_472 : i32 to index
        %get3A_474 = tpu.vector_load %arg6[%get3A_473] {strides = array<i32>} : memref<8192xi32, #tpu.memory_space<vmem>>, vector<16xi32>,
        %get3A_475 = vector.shape_cast %get3A_474 : vector<16xi32> to vector<16xi32>
        %eq3A_476 = vector.broadcast %select_n3A : i32 to vector<16xi32>
        %eq3A_477 = arith.cmpi eq, %get3A_475, %eq3A_476 : vector<16xi32>
        %jit3A_478 = arith.constant 1.000000e+00 : f32
        %jit3A_479 = arith.constant 0.000000e+00 : f32
        %broadcast_in_dim3A_480 = vector.broadcast %jit3A_478 : f32 to vector<16xf32>
        %broadcast_in_dim3A_481 = vector.broadcast %jit3A_479 : f32 to vector<16xf32>
        %select_n3A_482 = arith.select %eq3A_477, %broadcast_in_dim3A_480, %broadcast_in_dim3A_481 : vector<16xi1>, vector<16xf32>
        %mul3A_483 = arith.constant 16 : i32
        %mul3A_484 = arith.muli %add3A_320, %mul3A_483 : i32
        %add3A_485 = arith.constant 10 : i32
        %add3A_486 = arith.addi %mul3A_484, %add3A_485 : i32
        %mul3A_487 = arith.constant 16 : i32
        %mul3A_488 = arith.muli %add3A_486, %mul3A_487 : i32
        %get3A_489 = arith.index_cast %mul3A_488 : i32 to index
        %get3A_490 = tpu.vector_load %arg6[%get3A_489] {strides = array<i32>} : memref<8192xi32, #tpu.memory_space<vmem>>, vector<16xi32>,
        %get3A_491 = vector.shape_cast %get3A_490 : vector<16xi32> to vector<16xi32>
        %eq3A_492 = vector.broadcast %select_n3A : i32 to vector<16xi32>
        %eq3A_493 = arith.cmpi eq, %get3A_491, %eq3A_492 : vector<16xi32>
        %jit3A_494 = arith.constant 1.000000e+00 : f32
        %jit3A_495 = arith.constant 0.000000e+00 : f32
        %broadcast_in_dim3A_496 = vector.broadcast %jit3A_494 : f32 to vector<16xf32>
        %broadcast_in_dim3A_497 = vector.broadcast %jit3A_495 : f32 to vector<16xf32>
        %select_n3A_498 = arith.select %eq3A_493, %broadcast_in_dim3A_496, %broadcast_in_dim3A_497 : vector<16xi1>, vector<16xf32>
        %mul3A_499 = arith.constant 16 : i32
        %mul3A_500 = arith.muli %add3A_320, %mul3A_499 : i32
        %add3A_501 = arith.constant 11 : i32
        %add3A_502 = arith.addi %mul3A_500, %add3A_501 : i32
        %mul3A_503 = arith.constant 16 : i32
        %mul3A_504 = arith.muli %add3A_502, %mul3A_503 : i32
        %get3A_505 = arith.index_cast %mul3A_504 : i32 to index
        %get3A_506 = tpu.vector_load %arg6[%get3A_505] {strides = array<i32>} : memref<8192xi32, #tpu.memory_space<vmem>>, vector<16xi32>,
        %get3A_507 = vector.shape_cast %get3A_506 : vector<16xi32> to vector<16xi32>
        %eq3A_508 = vector.broadcast %select_n3A : i32 to vector<16xi32>
        %eq3A_509 = arith.cmpi eq, %get3A_507, %eq3A_508 : vector<16xi32>
        %jit3A_510 = arith.constant 1.000000e+00 : f32
        %jit3A_511 = arith.constant 0.000000e+00 : f32
        %broadcast_in_dim3A_512 = vector.broadcast %jit3A_510 : f32 to vector<16xf32>
        %broadcast_in_dim3A_513 = vector.broadcast %jit3A_511 : f32 to vector<16xf32>
        %select_n3A_514 = arith.select %eq3A_509, %broadcast_in_dim3A_512, %broadcast_in_dim3A_513 : vector<16xi1>, vector<16xf32>
        %mul3A_515 = arith.constant 16 : i32
        %mul3A_516 = arith.muli %add3A_320, %mul3A_515 : i32
        %add3A_517 = arith.constant 12 : i32
        %add3A_518 = arith.addi %mul3A_516, %add3A_517 : i32
        %mul3A_519 = arith.constant 16 : i32
        %mul3A_520 = arith.muli %add3A_518, %mul3A_519 : i32
        %get3A_521 = arith.index_cast %mul3A_520 : i32 to index
        %get3A_522 = tpu.vector_load %arg6[%get3A_521] {strides = array<i32>} : memref<8192xi32, #tpu.memory_space<vmem>>, vector<16xi32>,
        %get3A_523 = vector.shape_cast %get3A_522 : vector<16xi32> to vector<16xi32>
        %eq3A_524 = vector.broadcast %select_n3A : i32 to vector<16xi32>
        %eq3A_525 = arith.cmpi eq, %get3A_523, %eq3A_524 : vector<16xi32>
        %jit3A_526 = arith.constant 1.000000e+00 : f32
        %jit3A_527 = arith.constant 0.000000e+00 : f32
        %broadcast_in_dim3A_528 = vector.broadcast %jit3A_526 : f32 to vector<16xf32>
        %broadcast_in_dim3A_529 = vector.broadcast %jit3A_527 : f32 to vector<16xf32>
        %select_n3A_530 = arith.select %eq3A_525, %broadcast_in_dim3A_528, %broadcast_in_dim3A_529 : vector<16xi1>, vector<16xf32>
        %mul3A_531 = arith.constant 16 : i32
        %mul3A_532 = arith.muli %add3A_320, %mul3A_531 : i32
        %add3A_533 = arith.constant 13 : i32
        %add3A_534 = arith.addi %mul3A_532, %add3A_533 : i32
        %mul3A_535 = arith.constant 16 : i32
        %mul3A_536 = arith.muli %add3A_534, %mul3A_535 : i32
        %get3A_537 = arith.index_cast %mul3A_536 : i32 to index
        %get3A_538 = tpu.vector_load %arg6[%get3A_537] {strides = array<i32>} : memref<8192xi32, #tpu.memory_space<vmem>>, vector<16xi32>,
        %get3A_539 = vector.shape_cast %get3A_538 : vector<16xi32> to vector<16xi32>
        %eq3A_540 = vector.broadcast %select_n3A : i32 to vector<16xi32>
        %eq3A_541 = arith.cmpi eq, %get3A_539, %eq3A_540 : vector<16xi32>
        %jit3A_542 = arith.constant 1.000000e+00 : f32
        %jit3A_543 = arith.constant 0.000000e+00 : f32
        %broadcast_in_dim3A_544 = vector.broadcast %jit3A_542 : f32 to vector<16xf32>
        %broadcast_in_dim3A_545 = vector.broadcast %jit3A_543 : f32 to vector<16xf32>
        %select_n3A_546 = arith.select %eq3A_541, %broadcast_in_dim3A_544, %broadcast_in_dim3A_545 : vector<16xi1>, vector<16xf32>
        %mul3A_547 = arith.constant 16 : i32
        %mul3A_548 = arith.muli %add3A_320, %mul3A_547 : i32
        %add3A_549 = arith.constant 14 : i32
        %add3A_550 = arith.addi %mul3A_548, %add3A_549 : i32
        %mul3A_551 = arith.constant 16 : i32
        %mul3A_552 = arith.muli %add3A_550, %mul3A_551 : i32
        %get3A_553 = arith.index_cast %mul3A_552 : i32 to index
        %get3A_554 = tpu.vector_load %arg6[%get3A_553] {strides = array<i32>} : memref<8192xi32, #tpu.memory_space<vmem>>, vector<16xi32>,
        %get3A_555 = vector.shape_cast %get3A_554 : vector<16xi32> to vector<16xi32>
        %eq3A_556 = vector.broadcast %select_n3A : i32 to vector<16xi32>
        %eq3A_557 = arith.cmpi eq, %get3A_555, %eq3A_556 : vector<16xi32>
        %jit3A_558 = arith.constant 1.000000e+00 : f32
        %jit3A_559 = arith.constant 0.000000e+00 : f32
        %broadcast_in_dim3A_560 = vector.broadcast %jit3A_558 : f32 to vector<16xf32>
        %broadcast_in_dim3A_561 = vector.broadcast %jit3A_559 : f32 to vector<16xf32>
        %select_n3A_562 = arith.select %eq3A_557, %broadcast_in_dim3A_560, %broadcast_in_dim3A_561 : vector<16xi1>, vector<16xf32>
        %mul3A_563 = arith.constant 16 : i32
        %mul3A_564 = arith.muli %add3A_320, %mul3A_563 : i32
        %add3A_565 = arith.constant 15 : i32
        %add3A_566 = arith.addi %mul3A_564, %add3A_565 : i32
        %mul3A_567 = arith.constant 16 : i32
        %mul3A_568 = arith.muli %add3A_566, %mul3A_567 : i32
        %get3A_569 = arith.index_cast %mul3A_568 : i32 to index
        %get3A_570 = tpu.vector_load %arg6[%get3A_569] {strides = array<i32>} : memref<8192xi32, #tpu.memory_space<vmem>>, vector<16xi32>,
        %get3A_571 = vector.shape_cast %get3A_570 : vector<16xi32> to vector<16xi32>
        %eq3A_572 = vector.broadcast %select_n3A : i32 to vector<16xi32>
        %eq3A_573 = arith.cmpi eq, %get3A_571, %eq3A_572 : vector<16xi32>
        %jit3A_574 = arith.constant 1.000000e+00 : f32
        %jit3A_575 = arith.constant 0.000000e+00 : f32
        %broadcast_in_dim3A_576 = vector.broadcast %jit3A_574 : f32 to vector<16xf32>
        %broadcast_in_dim3A_577 = vector.broadcast %jit3A_575 : f32 to vector<16xf32>
        %select_n3A_578 = arith.select %eq3A_573, %broadcast_in_dim3A_576, %broadcast_in_dim3A_577 : vector<16xi1>, vector<16xf32>
        %convert_element_type3A_579 = arith.extui %gt3A_322 : i1 to i32
        %cond3A_580 = arith.constant 0 : i32
        %cond3A_581 = arith.cmpi ne, %convert_element_type3A_579, %cond3A_580 : i32
        scf.if %cond3A_581 {
          %dma_wait3A_597 = arith.constant 0 : i32
          %dma_wait3A_598 = tpu.memref_slice %arg4[%mul3A_2, %dma_wait3A_597] : memref<16384x2048xf32, #tpu.memory_space<hbm>> -> memref<16x2048xf32, #tpu.memory_space<hbm>>
          %dma_wait3A_599 = arith.constant 0 : i32
          %dma_wait3A_600 = tpu.memref_slice %arg4[%mul3A_2, %dma_wait3A_599] : memref<16384x2048xf32, #tpu.memory_space<hbm>> -> memref<16x2048xf32, #tpu.memory_space<hbm>>
          tpu.wait_dma2 semaphore(%arg10 : memref<!tpu.dma_semaphore, #tpu.memory_space<semaphore_mem>>) src(%arg8 : memref<16x2048xf32, #tpu.memory_space<vmem>>) dst(%dma_wait3A_600 : memref<16x2048xf32, #tpu.memory_space<hbm>>)
        } else {
        }
        %scan3A_582 = arith.constant 0 : i32
        %scan3A_583 = arith.constant 0 : i32
        %scan3A_584 = arith.constant 128 : i32
        %scan3A_585 = arith.addi %scan3A_583, %scan3A_584 : i32
        %scan3A_586 = arith.constant 1 : i32
        %scan3A_587 = scf.for %scan3A_597 = %scan3A_583 to %scan3A_585 step %scan3A_586 iter_args(%scan3A_598 = %scan3A_582) -> (i32)  : i32 {
          %mul3A_599 = arith.constant 16 : i32
          %mul3A_600 = arith.muli %scan3A_597, %mul3A_599 : i32
          %swap3A = arith.constant 0 : i32
          %swap3A_601 = arith.index_cast %swap3A : i32 to index
          %swap3A_602 = arith.index_cast %mul3A_600 : i32 to index
          %swap3A_603 = tpu.vector_load %arg8[%swap3A_601, %swap3A_602] {strides = array<i32>} : memref<16x2048xf32, #tpu.memory_space<vmem>>, vector<1x16xf32>,
          %swap3A_604 = vector.shape_cast %swap3A_603 : vector<1x16xf32> to vector<16xf32>
          %swap3A_605 = vector.shape_cast %select_n3A_338 : vector<16xf32> to vector<1x16xf32>
          tpu.vector_store %arg8[%swap3A_601, %swap3A_602], %swap3A_605 {strides = array<i32>} : memref<16x2048xf32, #tpu.memory_space<vmem>>, vector<1x16xf32>,
          %mul3A_606 = arith.constant 16 : i32
          %mul3A_607 = arith.muli %scan3A_597, %mul3A_606 : i32
          %swap3A_608 = arith.constant 1 : i32
          %swap3A_609 = arith.index_cast %swap3A_608 : i32 to index
          %swap3A_610 = arith.index_cast %mul3A_607 : i32 to index
          %swap3A_611 = tpu.vector_load %arg8[%swap3A_609, %swap3A_610] {strides = array<i32>} : memref<16x2048xf32, #tpu.memory_space<vmem>>, vector<1x16xf32>,
          %swap3A_612 = vector.shape_cast %swap3A_611 : vector<1x16xf32> to vector<16xf32>
          %swap3A_613 = vector.shape_cast %select_n3A_354 : vector<16xf32> to vector<1x16xf32>
          tpu.vector_store %arg8[%swap3A_609, %swap3A_610], %swap3A_613 {strides = array<i32>} : memref<16x2048xf32, #tpu.memory_space<vmem>>, vector<1x16xf32>,
          %mul3A_614 = arith.constant 16 : i32
          %mul3A_615 = arith.muli %scan3A_597, %mul3A_614 : i32
          %swap3A_616 = arith.constant 2 : i32
          %swap3A_617 = arith.index_cast %swap3A_616 : i32 to index
          %swap3A_618 = arith.index_cast %mul3A_615 : i32 to index
          %swap3A_619 = tpu.vector_load %arg8[%swap3A_617, %swap3A_618] {strides = array<i32>} : memref<16x2048xf32, #tpu.memory_space<vmem>>, vector<1x16xf32>,
          %swap3A_620 = vector.shape_cast %swap3A_619 : vector<1x16xf32> to vector<16xf32>
          %swap3A_621 = vector.shape_cast %select_n3A_370 : vector<16xf32> to vector<1x16xf32>
          tpu.vector_store %arg8[%swap3A_617, %swap3A_618], %swap3A_621 {strides = array<i32>} : memref<16x2048xf32, #tpu.memory_space<vmem>>, vector<1x16xf32>,
          %mul3A_622 = arith.constant 16 : i32
          %mul3A_623 = arith.muli %scan3A_597, %mul3A_622 : i32
          %swap3A_624 = arith.constant 3 : i32
          %swap3A_625 = arith.index_cast %swap3A_624 : i32 to index
          %swap3A_626 = arith.index_cast %mul3A_623 : i32 to index
          %swap3A_627 = tpu.vector_load %arg8[%swap3A_625, %swap3A_626] {strides = array<i32>} : memref<16x2048xf32, #tpu.memory_space<vmem>>, vector<1x16xf32>,
          %swap3A_628 = vector.shape_cast %swap3A_627 : vector<1x16xf32> to vector<16xf32>
          %swap3A_629 = vector.shape_cast %select_n3A_386 : vector<16xf32> to vector<1x16xf32>
          tpu.vector_store %arg8[%swap3A_625, %swap3A_626], %swap3A_629 {strides = array<i32>} : memref<16x2048xf32, #tpu.memory_space<vmem>>, vector<1x16xf32>,
          %mul3A_630 = arith.constant 16 : i32
          %mul3A_631 = arith.muli %scan3A_597, %mul3A_630 : i32
          %swap3A_632 = arith.constant 4 : i32
          %swap3A_633 = arith.index_cast %swap3A_632 : i32 to index
          %swap3A_634 = arith.index_cast %mul3A_631 : i32 to index
          %swap3A_635 = tpu.vector_load %arg8[%swap3A_633, %swap3A_634] {strides = array<i32>} : memref<16x2048xf32, #tpu.memory_space<vmem>>, vector<1x16xf32>,
          %swap3A_636 = vector.shape_cast %swap3A_635 : vector<1x16xf32> to vector<16xf32>
          %swap3A_637 = vector.shape_cast %select_n3A_402 : vector<16xf32> to vector<1x16xf32>
          tpu.vector_store %arg8[%swap3A_633, %swap3A_634], %swap3A_637 {strides = array<i32>} : memref<16x2048xf32, #tpu.memory_space<vmem>>, vector<1x16xf32>,
          %mul3A_638 = arith.constant 16 : i32
          %mul3A_639 = arith.muli %scan3A_597, %mul3A_638 : i32
          %swap3A_640 = arith.constant 5 : i32
          %swap3A_641 = arith.index_cast %swap3A_640 : i32 to index
          %swap3A_642 = arith.index_cast %mul3A_639 : i32 to index
          %swap3A_643 = tpu.vector_load %arg8[%swap3A_641, %swap3A_642] {strides = array<i32>} : memref<16x2048xf32, #tpu.memory_space<vmem>>, vector<1x16xf32>,
          %swap3A_644 = vector.shape_cast %swap3A_643 : vector<1x16xf32> to vector<16xf32>
          %swap3A_645 = vector.shape_cast %select_n3A_418 : vector<16xf32> to vector<1x16xf32>
          tpu.vector_store %arg8[%swap3A_641, %swap3A_642], %swap3A_645 {strides = array<i32>} : memref<16x2048xf32, #tpu.memory_space<vmem>>, vector<1x16xf32>,
          %mul3A_646 = arith.constant 16 : i32
          %mul3A_647 = arith.muli %scan3A_597, %mul3A_646 : i32
          %swap3A_648 = arith.constant 6 : i32
          %swap3A_649 = arith.index_cast %swap3A_648 : i32 to index
          %swap3A_650 = arith.index_cast %mul3A_647 : i32 to index
          %swap3A_651 = tpu.vector_load %arg8[%swap3A_649, %swap3A_650] {strides = array<i32>} : memref<16x2048xf32, #tpu.memory_space<vmem>>, vector<1x16xf32>,
          %swap3A_652 = vector.shape_cast %swap3A_651 : vector<1x16xf32> to vector<16xf32>
          %swap3A_653 = vector.shape_cast %select_n3A_434 : vector<16xf32> to vector<1x16xf32>
          tpu.vector_store %arg8[%swap3A_649, %swap3A_650], %swap3A_653 {strides = array<i32>} : memref<16x2048xf32, #tpu.memory_space<vmem>>, vector<1x16xf32>,
          %mul3A_654 = arith.constant 16 : i32
          %mul3A_655 = arith.muli %scan3A_597, %mul3A_654 : i32
          %swap3A_656 = arith.constant 7 : i32
          %swap3A_657 = arith.index_cast %swap3A_656 : i32 to index
          %swap3A_658 = arith.index_cast %mul3A_655 : i32 to index
          %swap3A_659 = tpu.vector_load %arg8[%swap3A_657, %swap3A_658] {strides = array<i32>} : memref<16x2048xf32, #tpu.memory_space<vmem>>, vector<1x16xf32>,
          %swap3A_660 = vector.shape_cast %swap3A_659 : vector<1x16xf32> to vector<16xf32>
          %swap3A_661 = vector.shape_cast %select_n3A_450 : vector<16xf32> to vector<1x16xf32>
          tpu.vector_store %arg8[%swap3A_657, %swap3A_658], %swap3A_661 {strides = array<i32>} : memref<16x2048xf32, #tpu.memory_space<vmem>>, vector<1x16xf32>,
          %mul3A_662 = arith.constant 16 : i32
          %mul3A_663 = arith.muli %scan3A_597, %mul3A_662 : i32
          %swap3A_664 = arith.constant 8 : i32
          %swap3A_665 = arith.index_cast %swap3A_664 : i32 to index
          %swap3A_666 = arith.index_cast %mul3A_663 : i32 to index
          %swap3A_667 = tpu.vector_load %arg8[%swap3A_665, %swap3A_666] {strides = array<i32>} : memref<16x2048xf32, #tpu.memory_space<vmem>>, vector<1x16xf32>,
          %swap3A_668 = vector.shape_cast %swap3A_667 : vector<1x16xf32> to vector<16xf32>
          %swap3A_669 = vector.shape_cast %select_n3A_466 : vector<16xf32> to vector<1x16xf32>
          tpu.vector_store %arg8[%swap3A_665, %swap3A_666], %swap3A_669 {strides = array<i32>} : memref<16x2048xf32, #tpu.memory_space<vmem>>, vector<1x16xf32>,
          %mul3A_670 = arith.constant 16 : i32
          %mul3A_671 = arith.muli %scan3A_597, %mul3A_670 : i32
          %swap3A_672 = arith.constant 9 : i32
          %swap3A_673 = arith.index_cast %swap3A_672 : i32 to index
          %swap3A_674 = arith.index_cast %mul3A_671 : i32 to index
          %swap3A_675 = tpu.vector_load %arg8[%swap3A_673, %swap3A_674] {strides = array<i32>} : memref<16x2048xf32, #tpu.memory_space<vmem>>, vector<1x16xf32>,
          %swap3A_676 = vector.shape_cast %swap3A_675 : vector<1x16xf32> to vector<16xf32>
          %swap3A_677 = vector.shape_cast %select_n3A_482 : vector<16xf32> to vector<1x16xf32>
          tpu.vector_store %arg8[%swap3A_673, %swap3A_674], %swap3A_677 {strides = array<i32>} : memref<16x2048xf32, #tpu.memory_space<vmem>>, vector<1x16xf32>,
          %mul3A_678 = arith.constant 16 : i32
          %mul3A_679 = arith.muli %scan3A_597, %mul3A_678 : i32
          %swap3A_680 = arith.constant 10 : i32
          %swap3A_681 = arith.index_cast %swap3A_680 : i32 to index
          %swap3A_682 = arith.index_cast %mul3A_679 : i32 to index
          %swap3A_683 = tpu.vector_load %arg8[%swap3A_681, %swap3A_682] {strides = array<i32>} : memref<16x2048xf32, #tpu.memory_space<vmem>>, vector<1x16xf32>,
          %swap3A_684 = vector.shape_cast %swap3A_683 : vector<1x16xf32> to vector<16xf32>
          %swap3A_685 = vector.shape_cast %select_n3A_498 : vector<16xf32> to vector<1x16xf32>
          tpu.vector_store %arg8[%swap3A_681, %swap3A_682], %swap3A_685 {strides = array<i32>} : memref<16x2048xf32, #tpu.memory_space<vmem>>, vector<1x16xf32>,
          %mul3A_686 = arith.constant 16 : i32
          %mul3A_687 = arith.muli %scan3A_597, %mul3A_686 : i32
          %swap3A_688 = arith.constant 11 : i32
          %swap3A_689 = arith.index_cast %swap3A_688 : i32 to index
          %swap3A_690 = arith.index_cast %mul3A_687 : i32 to index
          %swap3A_691 = tpu.vector_load %arg8[%swap3A_689, %swap3A_690] {strides = array<i32>} : memref<16x2048xf32, #tpu.memory_space<vmem>>, vector<1x16xf32>,
          %swap3A_692 = vector.shape_cast %swap3A_691 : vector<1x16xf32> to vector<16xf32>
          %swap3A_693 = vector.shape_cast %select_n3A_514 : vector<16xf32> to vector<1x16xf32>
          tpu.vector_store %arg8[%swap3A_689, %swap3A_690], %swap3A_693 {strides = array<i32>} : memref<16x2048xf32, #tpu.memory_space<vmem>>, vector<1x16xf32>,
          %mul3A_694 = arith.constant 16 : i32
          %mul3A_695 = arith.muli %scan3A_597, %mul3A_694 : i32
          %swap3A_696 = arith.constant 12 : i32
          %swap3A_697 = arith.index_cast %swap3A_696 : i32 to index
          %swap3A_698 = arith.index_cast %mul3A_695 : i32 to index
          %swap3A_699 = tpu.vector_load %arg8[%swap3A_697, %swap3A_698] {strides = array<i32>} : memref<16x2048xf32, #tpu.memory_space<vmem>>, vector<1x16xf32>,
          %swap3A_700 = vector.shape_cast %swap3A_699 : vector<1x16xf32> to vector<16xf32>
          %swap3A_701 = vector.shape_cast %select_n3A_530 : vector<16xf32> to vector<1x16xf32>
          tpu.vector_store %arg8[%swap3A_697, %swap3A_698], %swap3A_701 {strides = array<i32>} : memref<16x2048xf32, #tpu.memory_space<vmem>>, vector<1x16xf32>,
          %mul3A_702 = arith.constant 16 : i32
          %mul3A_703 = arith.muli %scan3A_597, %mul3A_702 : i32
          %swap3A_704 = arith.constant 13 : i32
          %swap3A_705 = arith.index_cast %swap3A_704 : i32 to index
          %swap3A_706 = arith.index_cast %mul3A_703 : i32 to index
          %swap3A_707 = tpu.vector_load %arg8[%swap3A_705, %swap3A_706] {strides = array<i32>} : memref<16x2048xf32, #tpu.memory_space<vmem>>, vector<1x16xf32>,
          %swap3A_708 = vector.shape_cast %swap3A_707 : vector<1x16xf32> to vector<16xf32>
          %swap3A_709 = vector.shape_cast %select_n3A_546 : vector<16xf32> to vector<1x16xf32>
          tpu.vector_store %arg8[%swap3A_705, %swap3A_706], %swap3A_709 {strides = array<i32>} : memref<16x2048xf32, #tpu.memory_space<vmem>>, vector<1x16xf32>,
          %mul3A_710 = arith.constant 16 : i32
          %mul3A_711 = arith.muli %scan3A_597, %mul3A_710 : i32
          %swap3A_712 = arith.constant 14 : i32
          %swap3A_713 = arith.index_cast %swap3A_712 : i32 to index
          %swap3A_714 = arith.index_cast %mul3A_711 : i32 to index
          %swap3A_715 = tpu.vector_load %arg8[%swap3A_713, %swap3A_714] {strides = array<i32>} : memref<16x2048xf32, #tpu.memory_space<vmem>>, vector<1x16xf32>,
          %swap3A_716 = vector.shape_cast %swap3A_715 : vector<1x16xf32> to vector<16xf32>
          %swap3A_717 = vector.shape_cast %select_n3A_562 : vector<16xf32> to vector<1x16xf32>
          tpu.vector_store %arg8[%swap3A_713, %swap3A_714], %swap3A_717 {strides = array<i32>} : memref<16x2048xf32, #tpu.memory_space<vmem>>, vector<1x16xf32>,
          %mul3A_718 = arith.constant 16 : i32
          %mul3A_719 = arith.muli %scan3A_597, %mul3A_718 : i32
          %swap3A_720 = arith.constant 15 : i32
          %swap3A_721 = arith.index_cast %swap3A_720 : i32 to index
          %swap3A_722 = arith.index_cast %mul3A_719 : i32 to index
          %swap3A_723 = tpu.vector_load %arg8[%swap3A_721, %swap3A_722] {strides = array<i32>} : memref<16x2048xf32, #tpu.memory_space<vmem>>, vector<1x16xf32>,
          %swap3A_724 = vector.shape_cast %swap3A_723 : vector<1x16xf32> to vector<16xf32>
          %swap3A_725 = vector.shape_cast %select_n3A_578 : vector<16xf32> to vector<1x16xf32>
          tpu.vector_store %arg8[%swap3A_721, %swap3A_722], %swap3A_725 {strides = array<i32>} : memref<16x2048xf32, #tpu.memory_space<vmem>>, vector<1x16xf32>,
          %scan3A_726 = arith.constant 0 : i32
          scf.yield %scan3A_726 : i32
        }
        %scan3A_588 = arith.constant 128 : i32
        %mul3A_589 = arith.constant 16 : i32
        %mul3A_590 = arith.muli %add3A_320, %mul3A_589 : i32
        %add3A_591 = arith.addi %mul3A_2, %mul3A_590 : i32
        %dma_start3A_592 = arith.constant 0 : i32
        %dma_start3A_593 = tpu.memref_slice %arg4[%add3A_591, %dma_start3A_592] : memref<16384x2048xf32, #tpu.memory_space<hbm>> -> memref<16x2048xf32, #tpu.memory_space<hbm>>
        %dma_start3A_594 = arith.constant 0 : i32
        %dma_start3A_595 = tpu.memref_slice %arg4[%add3A_591, %dma_start3A_594] : memref<16384x2048xf32, #tpu.memory_space<hbm>> -> memref<16x2048xf32, #tpu.memory_space<hbm>>
        tpu.enqueue_dma source(%arg8 : memref<16x2048xf32, #tpu.memory_space<vmem>>) target(%dma_start3A_595 : memref<16x2048xf32, #tpu.memory_space<hbm>>) target_semaphore(%arg10 : memref<!tpu.dma_semaphore, #tpu.memory_space<semaphore_mem>>)
        %scan3A_596 = arith.constant 0 : i32
        scf.yield %scan3A_596 : i32
      }
      %scan3A_35 = arith.constant 16 : i32
      %dma_wait3A = arith.constant 0 : i32
      %dma_wait3A_36 = tpu.memref_slice %arg4[%mul3A_2, %dma_wait3A] : memref<16384x2048xf32, #tpu.memory_space<hbm>> -> memref<16x2048xf32, #tpu.memory_space<hbm>>
      %dma_wait3A_37 = arith.constant 0 : i32
      %dma_wait3A_38 = tpu.memref_slice %arg4[%mul3A_2, %dma_wait3A_37] : memref<16384x2048xf32, #tpu.memory_space<hbm>> -> memref<16x2048xf32, #tpu.memory_space<hbm>>
      tpu.wait_dma2 semaphore(%arg9 : memref<!tpu.dma_semaphore, #tpu.memory_space<semaphore_mem>>) src(%arg7 : memref<16x2048xf32, #tpu.memory_space<vmem>>) dst(%dma_wait3A_38 : memref<16x2048xf32, #tpu.memory_space<hbm>>)
      %dma_wait3A_39 = arith.constant 0 : i32
      %dma_wait3A_40 = tpu.memref_slice %arg4[%mul3A_2, %dma_wait3A_39] : memref<16384x2048xf32, #tpu.memory_space<hbm>> -> memref<16x2048xf32, #tpu.memory_space<hbm>>
      %dma_wait3A_41 = arith.constant 0 : i32
      %dma_wait3A_42 = tpu.memref_slice %arg4[%mul3A_2, %dma_wait3A_41] : memref<16384x2048xf32, #tpu.memory_space<hbm>> -> memref<16x2048xf32, #tpu.memory_space<hbm>>
      tpu.wait_dma2 semaphore(%arg10 : memref<!tpu.dma_semaphore, #tpu.memory_space<semaphore_mem>>) src(%arg8 : memref<16x2048xf32, #tpu.memory_space<vmem>>) dst(%dma_wait3A_42 : memref<16x2048xf32, #tpu.memory_space<hbm>>)
    } else {
    }
    return
  }
}

</mosaic_0001>

<sc_bundles>
// kernel: kernel.3.cloned.1.call-start
scs
__scs_entry_jumppad:
0x0: {  	(pc) =	sbr.rel $0x88, $3  }
0x1: {  	(tag) =	ssettag $0x0;
	lr =	simm.s32 $0x1  }
0x2: {  	[smem:$0x3FA0] =	sst lr;
	_ =	strace $0xD0000000  }
0x3: {  	_ = 	snop  }
0x4: {  	_ = 	snop  }
0x5: {  	_ = 	snop  }
0x6: {  	_ = 	snop  }
0x7: {  	_ = 	snop  }
__scs_overlays_trampoline_lowered:
0x8: {  	[smem:$0x3FAF] =	sst s0  }
0x9: {  	[smem:$0x3FB0] =	sst s1  }
0xa: {  	[smem:$0x3FB1] =	sst s2  }
0xb: {  	[smem:$0x3FB2] =	sst s3  }
0xc: {  	[smem:$0x3FB3] =	sst s4  }
0xd: {  	[smem:$0x3FB4] =	sst s5  }
0xe: {  	[smem:$0x3FB5] =	sst s6  }
0xf: {  	[smem:$0x3FB6] =	sst s7  }
0x10: {  	[smem:$0x3FB7] =	sst s8  }
0x11: {  	[smem:$0x3FB8] =	sst s9;
	s0 =	simm.s32 @!p0 $0x0  }
0x12: {  	s1 =	sld [smem:$0x3F9E];
	s0 =	simm.s32 @p0 $0x1  }
0x13: {  	[smem:$0x3FB9] =	sst s0;
	s0 =	simm.s32 @!p1 $0x0  }
0x14: {  	s2 =	sld [smem:$0x3F9D];
	s0 =	simm.s32 @p1 $0x1  }
0x15: {  	[smem:$0x3FBA] =	sst s0;
	s0 =	simm.s32 @!p2 $0x0  }
0x16: {  	s3 =	sld [smem:$0x3FDB];
	s0 =	simm.s32 @p2 $0x1  }
0x17: {  	s4 =	simm.s32 $0x1BF5;
	[smem:$0x3FBC] =	sst s0  }
0x18: {  	s0 =	sld [smem:$0x3F9F];
	_ =	swait.ge [sflag:s4], $0x0  }
0x19: {  	s7 =	sld [smem:$0x3FA0]  }
0x1a: {  	s8 =	sadd.s32 $0xFFFFE003, lr  }
0x1b: {  	s9 =	sadd.s32 $0xFFFFFEF7, lr;
	s5 =	simm.s32 $0xFFFFFFFF;
	p2 =	slt.u32 s8, $0xFFFFF086  }
0x1c: {  	p1 =	slt.u32 s9, $0xF7A;
	s5 =	simm.s32 @!p2 $0x0  }
0x1d: {  	s5 =	simm.s32 @p1 $0x1;
	p0 =	seq.s32 s7, s2  }
0x1e: {  	s7 =	smul.u32 @!p0 $0xF7A, s2;
	p2 =	seq.s32 @!p0 s5, $0x0  }
0x1f: {  	s9 =	smul.u32 $0xF7A, s1;
	s8 =	simm.s32 @!p0 $0x1BF5;
	p2 =	por !p2, p0  }
0x20: {  	[sflag:s8] =	ssyncset.s32 @!p0 $0xFFFFF086;
	s6 =	sadd.s32 @!p0 s3, s7;
	s7 =	simm.s32 @!p0 $0x108  }
0x21: {  	s3 =	sadd.s32 s3, s9;
	s6 =	sadd.s32 @!p0 $0x88, s6;
	s7 =	simm.s32 @p2 $0x1082  }
0x22: {  	[simem:s7], [sflag:s8] =	dma.local @!p0 [hbm:s6], $0xF7A  }
0x23: {  	s9 =	sor.u32 $0xD0000000, s2;
	s6 =	simm.s32 $0x108;
	_ =	swait.ge @!p0 [sflag:s8], $0x0  }
0x24: {  	s3 =	sadd.s32 $0x88, s3;
	s6 =	simm.s32 @!p1 $0x1082;
	[sflag:s4] =	ssyncset.s32 $0xFFFFF086  }
0x25: {  	[simem:s6], [sflag:s4] =	dma.local [hbm:s3], $0xF7A  }
0x26: {  	[smem:$0x3FA0] =	sst s1;
	(tag) =	ssettag s2;
	_ =	strace s9  }
0x27: {  	s1 =	sld [smem:$0x3FB0]  }
0x28: {  	s2 =	sld [smem:$0x3FB1]  }
0x29: {  	s4 =	sld [smem:$0x3FB3]  }
0x2a: {  	p0 =	seq.s32 s5, $0x0;
	s5 =	sld [smem:$0x3FB4]  }
0x2b: {  	s6 =	sld [smem:$0x3FB5]  }
0x2c: {  	s7 =	sld [smem:$0x3FB6]  }
0x2d: {  	s3 =	simm.s32 $0x108;
	s8 =	sld [smem:$0x3FB7]  }
0x2e: {  	s3 =	simm.s32 @!p0 $0x1082;
	s9 =	sld [smem:$0x3FB8]  }
0x2f: {  	lr =	sadd.s32 s0, s3;
	s0 =	sld [smem:$0x3FAF]  }
0x30: {  	s3 =	sld [smem:$0x3FB2]  }
0x31: {  	[smem:$0x3FBB] =	sst s10  }
0x32: {  	s10 =	sld [smem:$0x3FB9];
	_ =	sdelay $0x3  }
0x33: {  	p0 =	seq.s32 s10, $0x1;
	s10 =	sld [smem:$0x3FBB];
	_ =	sdelay $0x3  }
0x34: {  	[smem:$0x3FBB] =	sst s10  }
0x35: {  	s10 =	sld [smem:$0x3FBA];
	_ =	sdelay $0x3  }
0x36: {  	p1 =	seq.s32 s10, $0x1;
	s10 =	sld [smem:$0x3FBB];
	_ =	sdelay $0x3  }
0x37: {  	[smem:$0x3FBB] =	sst s10  }
0x38: {  	s10 =	sld [smem:$0x3FBC]  }
0x39: {  	_ = 	snop;
	(pc) =	sbr.ind lr, $3  }
0x3a: {  	_ = 	snop  }
0x3b: {  	_ = 	snop  }
0x3c: {  	p2 =	seq.s32 s10, $0x1;
	s10 =	sld [smem:$0x3FBB]  }
0x3d: {  	_ =	shalt  }
0x3e: {  	_ =	shalt  }
0x3f: {  	_ =	shalt  }
0x40: {  	_ =	shalt  }
0x41: {  	_ =	shalt  }
0x42: {  	_ =	shalt  }
0x43: {  	_ =	shalt  }
0x44: {  	_ =	shalt  }
0x45: {  	_ =	shalt  }
0x46: {  	_ =	shalt  }
0x47: {  	_ =	shalt  }
0x48: {  	_ =	shalt  }
0x49: {  	_ =	shalt  }
0x4a: {  	_ =	shalt  }
0x4b: {  	_ =	shalt  }
0x4c: {  	_ =	shalt  }
0x4d: {  	_ =	shalt  }
0x4e: {  	_ =	shalt  }
0x4f: {  	_ =	shalt  }
0x50: {  	_ =	shalt  }
0x51: {  	_ =	shalt  }
0x52: {  	_ =	shalt  }
0x53: {  	_ =	shalt  }
0x54: {  	_ =	shalt  }
0x55: {  	_ =	shalt  }
0x56: {  	_ =	shalt  }
0x57: {  	_ =	shalt  }
0x58: {  	_ =	shalt  }
0x59: {  	_ =	shalt  }
0x5a: {  	_ =	shalt  }
0x5b: {  	_ =	shalt  }
0x5c: {  	_ =	shalt  }
0x5d: {  	_ =	shalt  }
0x5e: {  	_ =	shalt  }
0x5f: {  	_ =	shalt  }
0x60: {  	_ =	shalt  }
0x61: {  	_ =	shalt  }
0x62: {  	_ =	shalt  }
0x63: {  	_ =	shalt  }
0x64: {  	_ =	shalt  }
0x65: {  	_ =	shalt  }
0x66: {  	_ =	shalt  }
0x67: {  	_ =	shalt  }
0x68: {  	_ =	shalt  }
0x69: {  	_ =	shalt  }
0x6a: {  	_ =	shalt  }
0x6b: {  	_ =	shalt  }
0x6c: {  	_ =	shalt  }
0x6d: {  	_ =	shalt  }
0x6e: {  	_ =	shalt  }
0x6f: {  	_ =	shalt  }
0x70: {  	_ =	shalt  }
0x71: {  	_ =	shalt  }
0x72: {  	_ =	shalt  }
0x73: {  	_ =	shalt  }
0x74: {  	_ =	shalt  }
0x75: {  	_ =	shalt  }
0x76: {  	_ =	shalt  }
0x77: {  	_ =	shalt  }
0x78: {  	_ =	shalt  }
0x79: {  	_ =	shalt  }
0x7a: {  	_ =	shalt  }
0x7b: {  	_ =	shalt  }
0x7c: {  	_ =	shalt  }
0x7d: {  	_ =	shalt  }
0x7e: {  	_ =	shalt  }
0x7f: {  	_ =	shalt  }
0x80: {  	_ =	shalt  }
0x81: {  	_ =	shalt  }
0x82: {  	_ =	shalt  }
0x83: {  	_ =	shalt  }
0x84: {  	_ =	shalt  }
0x85: {  	_ =	shalt  }
0x86: {  	_ =	shalt  }
0x87: {  	_ =	shalt  }
.Lfunc_end0:
.L_simem_size_0:
called_computation_lowered:
.L_overlay_start_0:
0x88: {  	s2 =	sld [smem:$0x3FD9]  }
0x89: {  	s3 =	sld [smem:$0x3FFE];
	_ =	sdelay $0x1  }
0x8a: {  	s1 =	srdreg.scid  }
0x8b: {  	s0 =	sand.u32 $0x1, s1  }
0x8c: {  	s17 =	sshll.u32 s0, $0xA;
	s2 =	sadd.s32 s3, s2  }
0x8d: {  	s2 =	sadd.s32 s2, s17  }
0x8e: {  	[smem:$0x3FC7] =	sst s2  }
0x8f: {  	_ = 	snop  }
0x90: {  	s2 =	sld [smem:$0x3FC9]  }
0x91: {  	s18 =	sld [smem:$0x3FD0];
	(tm) =	ssettm $0x1  }
0x92: {  	s4 =	sld [smem:$0x3FFB];
	_ =	sdelay $0x3  }
0x93: {  	_ =	strace s4  }
0x94: {  	s4 =	sld [smem:$0x3FFC];
	_ =	sdelay $0x3  }
0x95: {  	_ =	strace s4  }
0x96: {  	s4 =	sld [smem:$0x3FFD];
	_ =	sdelay $0x3  }
0x97: {  	_ =	strace s4  }
0x98: {  	_ =	strace $0x8FFFFFFF  }
0x99: {  	s19 =	sld [smem:$0x3FDB];
	_ =	sdelay $0x1  }
0x9a: {  	s5 =	simm.s32 $_scs_section_size  }
0x9b: {  	s6 =	simm.s32 $_size__tile_overlayer_lowered;
	s7 =	simm.s32 $_tile_overlayer_lowered  }
0x9c: {  	s22 =	simm.s32 $0x1BFF;
	s21 =	sshll.u32 s7, $0x1;
	s4 =	sadd.s32 s5, s19  }
0x9d: {  	s8 =	simm.s32 $0x0;
	s20 =	sshll.u32 s6, $0x1;
	s6 =	sadd.s32 s21, s4  }
0x9e: {  	[timem:s8], [sflag:s22] =	dma.local [hbm:s6], s20  }
0x9f: {  	_ =	swait.ge [sflag:s22], s20  }
0xa0: {  	s5 =	ssub.s32 $0x0, s20;
	[sflag:s22] =	ssyncset.done $0x0  }
0xa1: {  	[sflag:s22] =	ssyncadd.s32 s5;
	_ =	sdelay $0x1  }
0xa2: {  	s23 =	simm.s32 $0x1B8B  }
0xa3: {  	_ =	swait.ge [sflag:s23], $0x1  }
0xa4: {  	[sflag:s23] =	ssyncset.done $0x0  }
0xa5: {  	s25 =	simm.s32 $0x1B8E;
	s24 =	sld [smem:$0x3FFE];
	[sflag:s23] =	ssyncadd.s32 $0xFFFFFFFF  }
0xa6: {  	s26 =	simm.s32 $execute0_lowered;
	[smem:$0x3FD2] =	sst s25  }
0xa7: {  	s6 =	sshll.u32 s26, $0x1;
	_ =	strace $0x80000046;
	[dreg:$0x1] =	wrdreg $0xFFFFFFFF  }
0xa8: {  	s28 =	simm.s32 $_size_execute0_lowered;
	s4 =	sadd.s32 s4, s6;
	[dreg:$0x0] =	wrdreg $0x0  }
0xa9: {  	s6 =	sshll.u32 s28, $0x1;
	[dreg:$0x2] =	wrdreg s4  }
0xaa: {  	[dreg:$0x3] =	wrdreg s6  }
0xab: {  	[dreg:$0x4] =	wrdreg $0xC0  }
0xac: {  	_ =	task [dreg:s8], $0x5FFFF  }
0xad: {  	[dreg:$0x1] =	wrdreg $0xFFFFFFFF  }
0xae: {  	[dreg:$0x0] =	wrdreg $0x60  }
0xaf: {  	[dreg:$0x2] =	wrdreg s2  }
0xb0: {  	[dreg:$0x3] =	wrdreg s24  }
0xb1: {  	[dreg:$0x4] =	wrdreg s18  }
0xb2: {  	[dreg:$0x5] =	wrdreg $0x9  }
0xb3: {  	_ =	task.clear_ibuf [dreg:s8], $0x6FFFF;
	_ =	strace $0x90000046  }
0xb4: {  	s29 =	simm.s32 $0x9;
	_ =	strace $0x80000048  }
0xb5: {  	_ =	swait.ge [sflag:s29], $0x1  }
0xb6: {  	[sflag:s29] =	ssyncadd.s32 $0xFFFFFFFF  }
0xb7: {  	_ =	strace $0x90000048  }
0xb8: {  	_ =	sfence  }
0xb9: {  	s30 =	sld [smem:$0x0];
	_ =	sdelay $0x2  }
0xba: {  	s31 =	sshll.u32 s1, $0xD;
	s1 =	sshrl.u32 s1, $0x2  }
0xbb: {  	s3 =	sand.u32 $0x4000, s31;
	s1 =	sadd.s32 s1, s30  }
0xbc: {  	s0 =	sor.u32 s3, s0;
	s1 =	sshll.u32 s1, $0x11  }
0xbd: {  	s0 =	sor.u32 s1, s0  }
0xbe: {  	s0 =	sadd.s32 $0x8F2B, s0  }
0xbf: {  	[sflag:s0] =	ssyncadd.remote.s32 $0x1  }
0xc0: {  	_ =	sfence.sel $0xFFFF  }
0xc1: {  	[dreg:$0x0] =	wrdreg $0xFFFFFFFF;
	(pc) =	sbr.abs _section_cstart, $3  }
0xc2: {  	[dreg:$0x1] =	wrdreg $0xFFFFFFFF  }
0xc3: {  	_ =	task.clear_ibuf [dreg:s8], $0x2FFFF;
	_ =	strace $0x9FFFFFFF  }
0xc4: {  	(tm) =	ssettm $0x7FFFFFFF  }
0xc5: {  	_ =	shalt  }
tec
execute0_lowered:
.L_overlay_start_1:
0x0: {  	(tag) =	ssettag $0x1  }
0x1: {  	s1 =	rddreg [dreg:$0x0]  }
0x2: {  	s4 =	rddreg [dreg:$0x1];
	s2 =	srdreg.scid  }
0x3: {  	s0 =	stileid.u32;
	s6 =	rddreg [dreg:$0x2]  }
0x4: {  	s13 =	simm.s32 $0x0;
	s7 =	sand.u32 $0x1, s2;
	s3 =	sshll.u32 s0, $0x1  }
0x5: {  	s2 =	rddreg [dreg:$0x3];
	s11 =	sshrl.u32 s0, $0x1;
	s31 =	sshll.u32 s0, $0x12  }
0x6: {  	p0 =	slt.u32 s0, $0x8;
	s5 =	sor.u32 s7, s3;
	s3 =	simm.s32 $0x0  }
0x7: {  	s9 =	sshll.u32 s11, $0xF;
	s29 =	ssub.s32 $0x2, s7;
	s12 =	sadd.s32 $0xFFFFFFFC, s11  }
0x8: {  	s7 =	sshll.u32 s7, $0x11;
	v0 =	vmov s11;
	s11 =	simm.s32 $0x800;
	s8 =	sshll.u32 s5, $0xD  }
0x9: {  	[smem:$0x7FF] =	sst s3;
	s10 =	sshrl.u32 s29, $0x1;
	s5 =	sshll.u32 s5, $0x11  }
.Ltmp0:
0xa: {  	v1 =	vmov s12;
	s12 =	simm.s32 $0xA800;
	s8 =	ssub.s32 s8, s9;
	(pc) =	sbr.rel .LBB2_1-.Ltmp0, $4  }
0xb: {  	_ =	strace $0x80000047;
	s30 =	ssub.s32 s29, s10;
	s5 =	sadd.s32 s6, s5  }
0xc: {  	s9 =	sadd.s32 s31, s6;
	s10 =	simm.s32 $0x1;
	s8 =	sshrl.u32 s8, $0x3  }
0xd: {  	s6 =	smax.u32 s30, $0x1;
	s7 =	sadd.s32 s7, s9;
	s4 =	sadd.s32 s8, s4  }
0xe: {  	v2 =	vimm.f32 $0.0e+00;
	s9 =	simm.s32 $0x2800;
	s8 =	simm.s32 $0x3;
	s4 =	sadd.s32 $0x400, s4  }
.LBB2_14:
0xf: {  	s13 =	sadd.s32 $0x1, s13  }
0x10: {  	_ =	swait.ge [sflag:s10], $0x8000;
	p1 =	sne.s32 s13, s6  }
.Ltmp1:
0x11: {  	[sflag:s10] =	ssyncset.done $0x0;
	(pc) =	sbr.rel @!p1 .LBB2_15-.Ltmp1, $4  }
0x12: {  	[sflag:s10] =	ssyncadd.s32 $0xFFFF8000  }
0x13: {  	_ =	swait.ge [sflag:s14], $0x8000  }
0x14: {  	[sflag:s14] =	ssyncset.done $0x0  }
0x15: {  	[sflag:s14] =	ssyncadd.s32 $0xFFFF8000  }
.LBB2_1:
.Ltmp2:
0x16: {  	(pc) =	sbr.rel @p0 .LBB2_7-.Ltmp2, $2  }
0x17: {  	_ =	sdelay $0x2  }
0x18: {  	s14 =	simm.s32 $0x0  }
0x19: {  	[tilespmem:s14], [sflag:$0x3] =	stream.linear.gather [hbm4b:s1+s14], $0x800, $0x38;
	[tilespmem:$0x12800] =	vst v63  }
0x1a: {  	_ =	swait.ge [sflag:s8], $0x800  }
0x1b: {  	[sflag:s8] =	ssyncset.done $0x0  }
0x1c: {  	[sflag:s8] =	ssyncadd.s32 $0xFFFFF800  }
0x1d: {  	v3 =	vld [tilespmem:s14+$0x0];
	_ =	sdelay $0x4  }
0x1e: {  	s15 =	sand.u32 $0x70, s14;
	s16 =	sand.u32 $0x3C00, s14;
	vm0 =	veq.s32 v3, v1  }
0x1f: {  	s18 =	sand.u32 $0x7, s14;
	s15 =	sor.u32 s15, s16;
	v3 =	vsel vm0, $0x3F800000, v2  }
0x20: {  	s17 =	simm.s32 $0x10;
	s31 =	sshll.u32 s18, $0x4;
	[tilespmem:s15+$0x2B00] =	vst v3  }
0x21: {  	s19 =	simm.s32 $0x0;
	s18 =	simm.s32 $0x0;
	s16 =	sadd.s32 $0x0, s31;
	[tilespmem:s15+$0x2A80] =	vst v3  }
.LBB2_3:
0x22: {  	s14 =	sadd.s32 $0x80, s14  }
0x23: {  	[tilespmem:s15+$0x2A00] =	vst v3;
	s18 =	sadd.s32 $0x1, s18;
	s19 =	sadd.s32 $0x10, s19;
	s20 =	smov.u32 s17  }
0x24: {  	p1 =	sne.s32 s17, $0x7F0;
	s17 =	sadd.s32 $0x10, s17;
	s21 =	sand.u32 $0x7, s18;
	[tilespmem:s15+$0x2980] =	vst v3  }
0x25: {  	s21 =	sshll.u32 s21, $0x4;
	[tilespmem:s15+$0x2900] =	vst v3  }
0x26: {  	s21 =	sadd.s32 s21, s14;
	[tilespmem:s15+$0x2800] =	vst v3  }
0x27: {  	s22 =	sor.u32 $0x380, s16;
	[tilespmem:s15+$0x2880] =	vst v3;
	s16 =	smov.u32 s21  }
0x28: {  	[tilespmem:s22+$0x2800] =	vst v3  }
0x29: {  	[tilespmem:s15+$0x6800] =	vst v3  }
0x2a: {  	[tilespmem:s15+$0x6B80] =	vst v3  }
0x2b: {  	[tilespmem:s15+$0x6B00] =	vst v3  }
0x2c: {  	[tilespmem:s15+$0x6900] =	vst v3  }
0x2d: {  	[tilespmem:s15+$0x6880] =	vst v3  }
0x2e: {  	[tilespmem:s15+$0x6A00] =	vst v3  }
0x2f: {  	[tilespmem:s15+$0x6A80] =	vst v3  }
0x30: {  	[tilespmem:s15+$0x6980] =	vst v3  }
0x31: {  	v3 =	vld [tilespmem:s19+$0x0];
	_ =	sdelay $0x3  }
.Ltmp3:
0x32: {  	(pc) =	sbr.rel @p1 .LBB2_3-.Ltmp3, $4  }
0x33: {  	s15 =	sand.u32 $0x70, s20;
	s20 =	sand.u32 $0x3C00, s14;
	vm0 =	veq.s32 v3, v1  }
0x34: {  	s15 =	sor.u32 s15, s20;
	v3 =	vsel vm0, $0x3F800000, v2  }
0x35: {  	[tilespmem:s15+$0x2B00] =	vst v3  }
0x36: {  	[tilespmem:s15+$0x2A80] =	vst v3  }
0x37: {  	[tilespmem:s15+$0x2A00] =	vst v3  }
0x38: {  	[tilespmem:s15+$0x2980] =	vst v3  }
0x39: {  	[tilespmem:s15+$0x2900] =	vst v3  }
0x3a: {  	[tilespmem:s15+$0x2800] =	vst v3  }
0x3b: {  	[tilespmem:s15+$0x2880] =	vst v3;
	s14 =	sor.u32 $0x380, s16  }
0x3c: {  	[tilespmem:s14+$0x2800] =	vst v3  }
0x3d: {  	[tilespmem:s15+$0x6800] =	vst v3  }
0x3e: {  	[tilespmem:s15+$0x6B80] =	vst v3  }
0x3f: {  	[tilespmem:s15+$0x6B00] =	vst v3  }
0x40: {  	[tilespmem:s15+$0x6900] =	vst v3  }
0x41: {  	[tilespmem:s15+$0x6880] =	vst v3  }
0x42: {  	[tilespmem:s15+$0x6A00] =	vst v3  }
0x43: {  	[tilespmem:s15+$0x6A80] =	vst v3  }
0x44: {  	s14 =	simm.s32 $0x1000;
	[tilespmem:s15+$0x6980] =	vst v3;
	s15 =	sadd.s32 $0x0, s7  }
.LBB2_5:
0x45: {  	[hbm4b:s15+s3] =	stream.linear.scatter [tilespmem:s9], [sflag:$0x1], $0x8000, $0x38;
	[tilespmem:$0x12800] =	vst v63  }
0x46: {  	s15 =	smov.u32 s14;
	p1 =	sne.s32 s14, $0x1F000  }
.Ltmp4:
0x47: {  	s14 =	sadd.s32 $0x1000, s14;
	(pc) =	sbr.rel @p1 .LBB2_5-.Ltmp4, $2  }
0x48: {  	_ =	sdelay $0x2  }
0x49: {  	s15 =	sadd.s32 s15, s7  }
0x4a: {  	[hbm4b:s15+s3] =	stream.linear.scatter [tilespmem:s9], [sflag:$0x1], $0x8000, $0x38;
	[tilespmem:$0x12800] =	vst v63  }
0x4b: {  	s14 =	simm.s32 $0x1  }
0x4c: {  	_ =	swait.ge [sflag:s14], $0x8000  }
0x4d: {  	[sflag:s14] =	ssyncset.done $0x0  }
0x4e: {  	[sflag:s14] =	ssyncadd.s32 $0xFFFF8000  }
0x4f: {  	_ =	swait.ge [sflag:s14], $0x8000  }
0x50: {  	[sflag:s14] =	ssyncset.done $0x0  }
0x51: {  	[sflag:s14] =	ssyncadd.s32 $0xFFFF8000  }
0x52: {  	_ =	swait.ge [sflag:s14], $0x8000  }
0x53: {  	[sflag:s14] =	ssyncset.done $0x0  }
0x54: {  	[sflag:s14] =	ssyncadd.s32 $0xFFFF8000  }
0x55: {  	_ =	swait.ge [sflag:s14], $0x8000  }
0x56: {  	[sflag:s14] =	ssyncset.done $0x0  }
0x57: {  	[sflag:s14] =	ssyncadd.s32 $0xFFFF8000  }
0x58: {  	_ =	swait.ge [sflag:s14], $0x8000  }
0x59: {  	[sflag:s14] =	ssyncset.done $0x0  }
0x5a: {  	[sflag:s14] =	ssyncadd.s32 $0xFFFF8000  }
0x5b: {  	_ =	swait.ge [sflag:s14], $0x8000  }
0x5c: {  	[sflag:s14] =	ssyncset.done $0x0  }
0x5d: {  	[sflag:s14] =	ssyncadd.s32 $0xFFFF8000  }
0x5e: {  	_ =	swait.ge [sflag:s14], $0x8000  }
0x5f: {  	[sflag:s14] =	ssyncset.done $0x0  }
0x60: {  	[sflag:s14] =	ssyncadd.s32 $0xFFFF8000  }
0x61: {  	_ =	swait.ge [sflag:s14], $0x8000  }
0x62: {  	[sflag:s14] =	ssyncset.done $0x0  }
0x63: {  	[sflag:s14] =	ssyncadd.s32 $0xFFFF8000  }
0x64: {  	_ =	swait.ge [sflag:s14], $0x8000  }
0x65: {  	[sflag:s14] =	ssyncset.done $0x0  }
0x66: {  	[sflag:s14] =	ssyncadd.s32 $0xFFFF8000  }
0x67: {  	_ =	swait.ge [sflag:s14], $0x8000  }
0x68: {  	[sflag:s14] =	ssyncset.done $0x0  }
0x69: {  	[sflag:s14] =	ssyncadd.s32 $0xFFFF8000  }
0x6a: {  	_ =	swait.ge [sflag:s14], $0x8000  }
0x6b: {  	[sflag:s14] =	ssyncset.done $0x0  }
0x6c: {  	[sflag:s14] =	ssyncadd.s32 $0xFFFF8000  }
0x6d: {  	_ =	swait.ge [sflag:s14], $0x8000  }
0x6e: {  	[sflag:s14] =	ssyncset.done $0x0  }
0x6f: {  	[sflag:s14] =	ssyncadd.s32 $0xFFFF8000  }
0x70: {  	_ =	swait.ge [sflag:s14], $0x8000  }
0x71: {  	[sflag:s14] =	ssyncset.done $0x0  }
0x72: {  	[sflag:s14] =	ssyncadd.s32 $0xFFFF8000  }
0x73: {  	_ =	swait.ge [sflag:s14], $0x8000  }
0x74: {  	[sflag:s14] =	ssyncset.done $0x0  }
0x75: {  	[sflag:s14] =	ssyncadd.s32 $0xFFFF8000  }
0x76: {  	_ =	swait.ge [sflag:s14], $0x8000  }
0x77: {  	[sflag:s14] =	ssyncset.done $0x0  }
0x78: {  	[sflag:s14] =	ssyncadd.s32 $0xFFFF8000  }
0x79: {  	_ =	swait.ge [sflag:s14], $0x8000  }
0x7a: {  	[sflag:s14] =	ssyncset.done $0x0  }
0x7b: {  	[sflag:s14] =	ssyncadd.s32 $0xFFFF8000  }
0x7c: {  	_ =	swait.ge [sflag:s14], $0x8000  }
0x7d: {  	[sflag:s14] =	ssyncset.done $0x0  }
0x7e: {  	[sflag:s14] =	ssyncadd.s32 $0xFFFF8000  }
0x7f: {  	_ =	swait.ge [sflag:s14], $0x8000  }
0x80: {  	[sflag:s14] =	ssyncset.done $0x0  }
0x81: {  	[sflag:s14] =	ssyncadd.s32 $0xFFFF8000  }
0x82: {  	_ =	swait.ge [sflag:s14], $0x8000  }
0x83: {  	[sflag:s14] =	ssyncset.done $0x0  }
0x84: {  	[sflag:s14] =	ssyncadd.s32 $0xFFFF8000  }
0x85: {  	_ =	swait.ge [sflag:s14], $0x8000  }
0x86: {  	[sflag:s14] =	ssyncset.done $0x0  }
0x87: {  	[sflag:s14] =	ssyncadd.s32 $0xFFFF8000  }
0x88: {  	_ =	swait.ge [sflag:s14], $0x8000  }
0x89: {  	[sflag:s14] =	ssyncset.done $0x0  }
0x8a: {  	[sflag:s14] =	ssyncadd.s32 $0xFFFF8000  }
0x8b: {  	_ =	swait.ge [sflag:s14], $0x8000  }
0x8c: {  	[sflag:s14] =	ssyncset.done $0x0  }
0x8d: {  	[sflag:s14] =	ssyncadd.s32 $0xFFFF8000  }
0x8e: {  	_ =	swait.ge [sflag:s14], $0x8000  }
0x8f: {  	[sflag:s14] =	ssyncset.done $0x0  }
0x90: {  	[sflag:s14] =	ssyncadd.s32 $0xFFFF8000  }
0x91: {  	_ =	swait.ge [sflag:s14], $0x8000  }
0x92: {  	[sflag:s14] =	ssyncset.done $0x0  }
0x93: {  	[sflag:s14] =	ssyncadd.s32 $0xFFFF8000  }
0x94: {  	_ =	swait.ge [sflag:s14], $0x8000  }
0x95: {  	[sflag:s14] =	ssyncset.done $0x0  }
0x96: {  	[sflag:s14] =	ssyncadd.s32 $0xFFFF8000  }
0x97: {  	_ =	swait.ge [sflag:s14], $0x8000  }
0x98: {  	[sflag:s14] =	ssyncset.done $0x0  }
0x99: {  	[sflag:s14] =	ssyncadd.s32 $0xFFFF8000  }
0x9a: {  	_ =	swait.ge [sflag:s14], $0x8000  }
0x9b: {  	[sflag:s14] =	ssyncset.done $0x0  }
0x9c: {  	[sflag:s14] =	ssyncadd.s32 $0xFFFF8000  }
0x9d: {  	_ =	swait.ge [sflag:s14], $0x8000  }
0x9e: {  	[sflag:s14] =	ssyncset.done $0x0  }
0x9f: {  	[sflag:s14] =	ssyncadd.s32 $0xFFFF8000  }
0xa0: {  	_ =	swait.ge [sflag:s14], $0x8000  }
.Ltmp5:
0xa1: {  	[sflag:s14] =	ssyncset.done $0x0;
	(pc) =	sbr.rel .LBB2_14-.Ltmp5, $4  }
0xa2: {  	[sflag:s14] =	ssyncadd.s32 $0xFFFF8000  }
0xa3: {  	_ =	swait.ge [sflag:s14], $0x8000  }
0xa4: {  	[sflag:s14] =	ssyncset.done $0x0  }
0xa5: {  	[sflag:s14] =	ssyncadd.s32 $0xFFFF8000  }
.LBB2_7:
0xa6: {  	[tilespmem:s11], [sflag:$0x3] =	stream.linear.gather [hbm4b:s4+s14], $0x2000, $0x38;
	[tilespmem:$0x12800] =	vst v63  }
0xa7: {  	_ =	swait.ge [sflag:s8], $0x2000  }
0xa8: {  	[sflag:s8] =	ssyncset.done $0x0  }
0xa9: {  	s15 =	simm.s32 $0x0;
	[sflag:s8] =	ssyncadd.s32 $0xFFFFE000  }
.LBB2_8:
0xaa: {  	s16 =	sshll.u32 s15, $0x9  }
0xab: {  	s16 =	sand.u32 $0x3FFFFE00, s16  }
0xac: {  	v3 =	vld [tilespmem:s16+$0x800]  }
0xad: {  	v4 =	vld [tilespmem:s16+$0x810]  }
0xae: {  	v5 =	vld [tilespmem:s16+$0x820]  }
0xaf: {  	v6 =	vld [tilespmem:s16+$0x830]  }
0xb0: {  	v7 =	vld [tilespmem:s16+$0x840]  }
0xb1: {  	v8 =	vld [tilespmem:s16+$0x850]  }
0xb2: {  	v9 =	vld [tilespmem:s16+$0x860]  }
0xb3: {  	v10 =	vld [tilespmem:s16+$0x870]  }
0xb4: {  	v11 =	vld [tilespmem:s16+$0x880]  }
0xb5: {  	v12 =	vld [tilespmem:s16+$0x890]  }
0xb6: {  	v13 =	vld [tilespmem:s16+$0x8A0]  }
0xb7: {  	v14 =	vld [tilespmem:s16+$0x8B0]  }
0xb8: {  	v15 =	vld [tilespmem:s16+$0x8C0]  }
0xb9: {  	v16 =	vld [tilespmem:s16+$0x8D0]  }
0xba: {  	v17 =	vld [tilespmem:s16+$0x8E0];
	vm0 =	veq.s32 v3, v0;
	vm15 =	veq.s32 v4, v0  }
0xbb: {  	vm1 =	veq.s32 v5, v0;
	vm2 =	veq.s32 v6, v0;
	vm4 =	veq.s32 v7, v0  }
0xbc: {  	p1 =	seq.s32 s15, $0x0;
	vm5 =	veq.s32 v8, v0;
	vm6 =	veq.s32 v9, v0;
	vm7 =	veq.s32 v10, v0  }
0xbd: {  	v18 =	vld [tilespmem:s16+$0x8F0];
	s16 =	simm.s32 @!p1 $0x1;
	vm8 =	veq.s32 v11, v0;
	vm9 =	veq.s32 v12, v0;
	vm10 =	veq.s32 v13, v0  }
0xbe: {  	_ =	swait.ge @!p1 [sflag:s16], $0x8000;
	vm11 =	veq.s32 v14, v0;
	vm12 =	veq.s32 v15, v0;
	vm13 =	veq.s32 v16, v0  }
0xbf: {  	s17 =	sand.u32 $0x70, s14;
	s18 =	sand.u32 $0x3C00, s14;
	[sflag:s16] =	ssyncset.done @!p1 $0x0;
	vm14 =	veq.s32 v17, v0;
	v3 =	vsel vm0, $0x3F800000, v2;
	v4 =	vsel vm15, $0x3F800000, v2  }
0xc0: {  	[sflag:s16] =	ssyncadd.s32 @!p1 $0xFFFF8000;
	s16 =	sor.u32 s17, s18;
	v5 =	vsel vm1, $0x3F800000, v2;
	v6 =	vsel vm2, $0x3F800000, v2;
	v9 =	vsel vm4, $0x3F800000, v2  }
0xc1: {  	v8 =	vsel vm5, $0x3F800000, v2;
	v7 =	vsel vm6, $0x3F800000, v2;
	v10 =	vsel vm7, $0x3F800000, v2;
	[tilespmem:s16+$0x2880] =	vst v4  }
0xc2: {  	v11 =	vsel vm8, $0x3F800000, v2;
	v12 =	vsel vm9, $0x3F800000, v2;
	v13 =	vsel vm10, $0x3F800000, v2;
	[tilespmem:s16+$0x2900] =	vst v5  }
0xc3: {  	s20 =	sand.u32 $0x7, s14;
	v14 =	vsel vm11, $0x3F800000, v2;
	v15 =	vsel vm12, $0x3F800000, v2;
	vm15 =	veq.s32 v18, v0;
	[tilespmem:s16+$0x2980] =	vst v6  }
0xc4: {  	s19 =	simm.s32 $0x0;
	s18 =	simm.s32 $0x10;
	s17 =	simm.s32 $0x0;
	v17 =	vsel vm13, $0x3F800000, v2;
	v18 =	vsel vm14, $0x3F800000, v2;
	v16 =	vsel vm15, $0x3F800000, v2;
	[tilespmem:s16+$0x2A00] =	vst v9  }
.LBB2_9:
0xc5: {  	p2 =	sne.s32 s18, $0x7F0;
	s20 =	sshll.u32 s20, $0x4;
	[tilespmem:s16+$0x2A80] =	vst v8  }
0xc6: {  	s20 =	sadd.s32 s20, s17;
	[tilespmem:s16+$0x2B00] =	vst v7  }
0xc7: {  	[tilespmem:s16+$0x2800] =	vst v3;
	s20 =	sor.u32 $0x380, s20  }
0xc8: {  	[tilespmem:s20+$0x2800] =	vst v10  }
0xc9: {  	[tilespmem:s16+$0x6800] =	vst v11  }
0xca: {  	[tilespmem:s16+$0x6880] =	vst v12  }
0xcb: {  	[tilespmem:s16+$0x6900] =	vst v13  }
0xcc: {  	[tilespmem:s16+$0x6980] =	vst v14  }
0xcd: {  	[tilespmem:s16+$0x6A00] =	vst v15  }
0xce: {  	s17 =	sadd.s32 $0x80, s17;
	[tilespmem:s16+$0x6A80] =	vst v17  }
0xcf: {  	s21 =	sand.u32 $0x3C00, s17;
	s20 =	sand.u32 $0x70, s18;
	[tilespmem:s16+$0x6B00] =	vst v18  }
.Ltmp6:
0xd0: {  	[tilespmem:s16+$0x6B80] =	vst v16;
	s16 =	sor.u32 s20, s21;
	(pc) =	sbr.rel @p2 .LBB2_9-.Ltmp6, $4  }
0xd1: {  	[tilespmem:s16+$0x2880] =	vst v4  }
0xd2: {  	[tilespmem:s16+$0x2900] =	vst v5  }
0xd3: {  	s19 =	sadd.s32 $0x1, s19;
	[tilespmem:s16+$0x2980] =	vst v6  }
0xd4: {  	s18 =	sadd.s32 $0x10, s18;
	s20 =	sand.u32 $0x7, s19;
	[tilespmem:s16+$0x2A00] =	vst v9  }
0xd5: {  	s18 =	sshll.u32 s20, $0x4;
	[tilespmem:s16+$0x2A80] =	vst v8  }
0xd6: {  	[tilespmem:s16+$0x2B00] =	vst v7;
	s17 =	sadd.s32 s18, s17  }
0xd7: {  	[tilespmem:s16+$0x2800] =	vst v3;
	s17 =	sor.u32 $0x380, s17  }
0xd8: {  	[tilespmem:s17+$0x2800] =	vst v10  }
0xd9: {  	[tilespmem:s16+$0x6800] =	vst v11  }
0xda: {  	[tilespmem:s16+$0x6880] =	vst v12  }
0xdb: {  	[tilespmem:s16+$0x6900] =	vst v13  }
0xdc: {  	[tilespmem:s16+$0x6980] =	vst v14  }
0xdd: {  	[tilespmem:s16+$0x6A00] =	vst v15  }
0xde: {  	[tilespmem:s16+$0x6A80] =	vst v17  }
0xdf: {  	s28 =	sshll.u32 s15, $0xD;
	[tilespmem:s16+$0x6B00] =	vst v18  }
0xe0: {  	s29 =	sadd.s32 s28, s5;
	[tilespmem:s16+$0x6B80] =	vst v16;
	s16 =	sshllo.u32 s15, $0x1  }
0xe1: {  	[hbm4b:s29+s3] =	stream.linear.scatter [tilespmem:s9], [sflag:$0x1], $0x8000, $0x38;
	[tilespmem:$0x12800] =	vst v63  }
0xe2: {  	s30 =	sshll.u32 s16, $0x8  }
0xe3: {  	s17 =	sand.u32 $0x3FFFFF00, s30  }
0xe4: {  	v3 =	vld [tilespmem:s17+$0x800]  }
0xe5: {  	v4 =	vld [tilespmem:s17+$0x810]  }
0xe6: {  	v5 =	vld [tilespmem:s17+$0x820]  }
0xe7: {  	v6 =	vld [tilespmem:s17+$0x830]  }
0xe8: {  	v7 =	vld [tilespmem:s17+$0x840]  }
0xe9: {  	v8 =	vld [tilespmem:s17+$0x850]  }
0xea: {  	v9 =	vld [tilespmem:s17+$0x860]  }
0xeb: {  	v10 =	vld [tilespmem:s17+$0x870]  }
0xec: {  	v11 =	vld [tilespmem:s17+$0x880]  }
0xed: {  	v12 =	vld [tilespmem:s17+$0x890]  }
0xee: {  	v13 =	vld [tilespmem:s17+$0x8A0]  }
0xef: {  	v14 =	vld [tilespmem:s17+$0x8B0]  }
0xf0: {  	v15 =	vld [tilespmem:s17+$0x8C0]  }
0xf1: {  	v16 =	vld [tilespmem:s17+$0x8D0]  }
0xf2: {  	v17 =	vld [tilespmem:s17+$0x8E0];
	vm0 =	veq.s32 v3, v0;
	vm15 =	veq.s32 v4, v0  }
0xf3: {  	vm1 =	veq.s32 v5, v0;
	vm2 =	veq.s32 v6, v0;
	vm4 =	veq.s32 v7, v0  }
0xf4: {  	vm5 =	veq.s32 v8, v0;
	vm6 =	veq.s32 v9, v0;
	vm7 =	veq.s32 v10, v0  }
0xf5: {  	v18 =	vld [tilespmem:s17+$0x8F0];
	s17 =	simm.s32 @!p1 $0x2;
	vm8 =	veq.s32 v11, v0;
	vm9 =	veq.s32 v12, v0;
	vm10 =	veq.s32 v13, v0  }
0xf6: {  	s18 =	simm.s32 $0x0;
	_ =	swait.ge @!p1 [sflag:s17], $0x8000;
	vm11 =	veq.s32 v14, v0;
	vm12 =	veq.s32 v15, v0;
	vm13 =	veq.s32 v16, v0  }
0xf7: {  	s19 =	sand.u32 $0x70, s18;
	s31 =	sand.u32 $0x3C00, s18;
	[sflag:s17] =	ssyncset.done @!p1 $0x0;
	vm14 =	veq.s32 v17, v0;
	v3 =	vsel vm0, $0x3F800000, v2;
	v4 =	vsel vm15, $0x3F800000, v2  }
0xf8: {  	[sflag:s17] =	ssyncadd.s32 @!p1 $0xFFFF8000;
	s17 =	sor.u32 s19, s31;
	v5 =	vsel vm1, $0x3F800000, v2;
	v6 =	vsel vm2, $0x3F800000, v2;
	v9 =	vsel vm4, $0x3F800000, v2  }
0xf9: {  	v8 =	vsel vm5, $0x3F800000, v2;
	v7 =	vsel vm6, $0x3F800000, v2;
	v10 =	vsel vm7, $0x3F800000, v2;
	[tilespmem:s17+$0xA880] =	vst v4  }
0xfa: {  	v11 =	vsel vm8, $0x3F800000, v2;
	v12 =	vsel vm9, $0x3F800000, v2;
	v13 =	vsel vm10, $0x3F800000, v2;
	[tilespmem:s17+$0xA900] =	vst v5  }
0xfb: {  	v14 =	vsel vm11, $0x3F800000, v2;
	v15 =	vsel vm12, $0x3F800000, v2;
	vm15 =	veq.s32 v18, v0;
	[tilespmem:s17+$0xA980] =	vst v6  }
0xfc: {  	s20 =	simm.s32 $0x0;
	s21 =	sand.u32 $0x7, s18;
	s19 =	simm.s32 $0x10;
	v17 =	vsel vm13, $0x3F800000, v2;
	v18 =	vsel vm14, $0x3F800000, v2;
	v16 =	vsel vm15, $0x3F800000, v2;
	[tilespmem:s17+$0xAA00] =	vst v9  }
.LBB2_11:
0xfd: {  	p1 =	sne.s32 s19, $0x7F0;
	s21 =	sshll.u32 s21, $0x4;
	[tilespmem:s17+$0xAA80] =	vst v8  }
0xfe: {  	s21 =	sadd.s32 s21, s18;
	[tilespmem:s17+$0xAB00] =	vst v7  }
0xff: {  	[tilespmem:s17+$0xA800] =	vst v3;
	s21 =	sor.u32 $0x380, s21  }
0x100: {  	[tilespmem:s21+$0xA800] =	vst v10  }
0x101: {  	[tilespmem:s17+$0xE800] =	vst v11  }
0x102: {  	[tilespmem:s17+$0xE880] =	vst v12  }
0x103: {  	[tilespmem:s17+$0xE900] =	vst v13  }
0x104: {  	[tilespmem:s17+$0xE980] =	vst v14  }
0x105: {  	[tilespmem:s17+$0xEA00] =	vst v15  }
0x106: {  	s18 =	sadd.s32 $0x80, s18;
	[tilespmem:s17+$0xEA80] =	vst v17  }
0x107: {  	s22 =	sand.u32 $0x3C00, s18;
	s21 =	sand.u32 $0x70, s19;
	[tilespmem:s17+$0xEB00] =	vst v18  }
.Ltmp7:
0x108: {  	[tilespmem:s17+$0xEB80] =	vst v16;
	s17 =	sor.u32 s21, s22;
	(pc) =	sbr.rel @p1 .LBB2_11-.Ltmp7, $4  }
0x109: {  	[tilespmem:s17+$0xA880] =	vst v4  }
0x10a: {  	[tilespmem:s17+$0xA900] =	vst v5  }
0x10b: {  	s20 =	sadd.s32 $0x1, s20;
	[tilespmem:s17+$0xA980] =	vst v6  }
0x10c: {  	s19 =	sadd.s32 $0x10, s19;
	s21 =	sand.u32 $0x7, s20;
	[tilespmem:s17+$0xAA00] =	vst v9  }
0x10d: {  	s19 =	sshll.u32 s21, $0x4;
	[tilespmem:s17+$0xAA80] =	vst v8  }
0x10e: {  	[tilespmem:s17+$0xAB00] =	vst v7;
	s18 =	sadd.s32 s19, s18  }
0x10f: {  	[tilespmem:s17+$0xA800] =	vst v3;
	s18 =	sor.u32 $0x380, s18  }
0x110: {  	[tilespmem:s18+$0xA800] =	vst v10  }
0x111: {  	[tilespmem:s17+$0xE800] =	vst v11  }
0x112: {  	[tilespmem:s17+$0xE880] =	vst v12  }
0x113: {  	s15 =	sadd.s32 $0x1, s15;
	[tilespmem:s17+$0xE900] =	vst v13  }
0x114: {  	p1 =	sne.s32 s15, $0x10;
	[tilespmem:s17+$0xE980] =	vst v14  }
.Ltmp8:
0x115: {  	[tilespmem:s17+$0xEA00] =	vst v15;
	(pc) =	sbr.rel @p1 .LBB2_8-.Ltmp8, $4  }
0x116: {  	[tilespmem:s17+$0xEA80] =	vst v17  }
0x117: {  	s16 =	sshll.u32 s16, $0xC;
	[tilespmem:s17+$0xEB00] =	vst v18  }
0x118: {  	s16 =	sadd.s32 s16, s5;
	[tilespmem:s17+$0xEB80] =	vst v16  }
0x119: {  	[hbm4b:s16+s3] =	stream.linear.scatter [tilespmem:s12], [sflag:$0x2], $0x8000, $0x38;
	[tilespmem:$0x12800] =	vst v63  }
.Ltmp9:
0x11a: {  	(pc) =	sbr.rel .LBB2_14-.Ltmp9, $2  }
0x11b: {  	_ =	sdelay $0x2  }
0x11c: {  	s14 =	simm.s32 $0x2  }
.LBB2_15:
0x11d: {  	_ =	sfence.sel $0x180000  }
0x11e: {  	[bflag:$0x0] =	sbarrier.arrive $0xFFFF  }
0x11f: {  	p0 =	sne.s32 s0, $0x0;
	_ =	strace $0x90000047  }
0x120: {  	s0 =	sadd.s32 @!p0 $0x100000, s2;
	[bflag:$0x2] =	sbarrier.arrive $0xFFFF  }
0x121: {  	[sflag:s0] =	ssyncadd.tile.s32 @!p0 $0x1;
	_ =	shalt  }
.Lfunc_end2:
_tile_overlayer_lowered:
.L_overlay_start_2:
0x122: {  	(tag) =	ssettag $0x2  }
0x123: {  	s0 =	rddreg [dreg:$0x0];
	s2 =	stileid.u32  }
0x124: {  	s1 =	rddreg [dreg:$0x1];
	p0 =	sne.s32 s2, $0x0  }
0x125: {  	s3 =	rddreg [dreg:$0x2];
	[bflag:$0x3] =	sbarrier.arrive $0xFFFF;
	s2 =	simm.s32 @!p0 $0x1C03  }
0x126: {  	[timem:s3], [sflag:s2] =	dma.local @!p0 [hbm:s0], s1  }
0x127: {  	s0 =	simm.s32 @!p0 $0x3  }
0x128: {  	_ =	swait.ge @!p0 [sflag:s0], s1  }
0x129: {  	s1 =	ssub.s32 @!p0 $0x0, s1;
	[sflag:s0] =	ssyncset.done @!p0 $0x0  }
0x12a: {  	[sflag:s0] =	ssyncadd.s32 @!p0 s1  }
0x12b: {  	[bflag:$0x3] =	sbarrier.arrive $0xFFFF  }
0x12c: {  	_ =	shalt  }

</sc_bundles>
